<compile_context>
chip_gen: v7x
topology: tpu7x:2x2x1
jax: 0.10.2.dev20260603
libtpu: 0.0.44.dev20260713+nightly
codegen_flags: <defaults>
</compile_context>

<pallas_src>
import functools

import jax
import jax.numpy as jnp
from jax import lax
from jax.experimental import pallas as pl
from jax.experimental.pallas import tpu as pltpu
from jax.experimental.pallas import tpu_sc as plsc

N = 10000
E = 160000
D = 256
H = 128
NPAD = 10240
EP = 163840
NC = 2
NS = 16
EPT = EP // NS
B = 128
NB = EPT // B
K = 8
NCH = NB // K
RPT = NPAD // NS


def _sc_body(xcat_ref, src4_ref, dst3_ref, zrow_ref, zcnt_ref, ones_ref,
             agg_ref, cnt_ref,
             src_ch, dst_ch, rows_a, rows_b, ones_v, sagg, scnt,
             sem_a, sem_b):
    c = lax.axis_index("c")
    s = lax.axis_index("s")

    pltpu.sync_copy(ones_ref, ones_v)
    pltpu.sync_copy(zrow_ref, sagg.at[pl.ds(s * RPT, RPT)])
    pltpu.sync_copy(zcnt_ref, scnt.at[pl.ds(s * RPT, RPT)])
    plsc.subcore_barrier()

    rows = (rows_a, rows_b)
    sems = (sem_a, sem_b)

    def gather_start(b, buf, sem):
        pltpu.async_copy(xcat_ref.at[src_ch.at[b]], buf, sem)

    def gather_wait(buf, sem):
        pltpu.make_async_copy(xcat_ref.at[src_ch.at[0]], buf, sem).wait()

    def chunk(ch, carry):
        pltpu.sync_copy(src4_ref.at[c, s].at[pl.ds(ch * K, K)], src_ch)
        pltpu.sync_copy(dst3_ref.at[s].at[pl.ds(ch * K, K)], dst_ch)
        gather_start(0, rows[0], sems[0])
        for b in range(K):
            buf, sem = rows[b % 2], sems[b % 2]
            if b + 1 < K:
                gather_start(b + 1, rows[(b + 1) % 2], sems[(b + 1) % 2])
            gather_wait(buf, sem)
            idx = dst_ch.at[b]
            pltpu.sync_copy(buf, sagg.at[idx], add=True)
            pltpu.sync_copy(ones_v, scnt.at[idx], add=True)
        return carry
    lax.fori_loop(0, NCH, chunk, 0)
    plsc.subcore_barrier()

    row = s * RPT
    pltpu.sync_copy(sagg.at[pl.ds(row, RPT)],
                    agg_ref.at[pl.ds(c * NPAD + row, RPT)])
    pltpu.sync_copy(scnt.at[pl.ds(row, RPT)],
                    cnt_ref.at[pl.ds(c * NPAD + row, RPT)])


_sc_aggregate = functools.partial(
    pl.kernel,
    out_type=(
        jax.ShapeDtypeStruct((NC * NPAD, H), jnp.float32),
        jax.ShapeDtypeStruct((NC * NPAD, 16), jnp.float32),
    ),
    mesh=plsc.VectorSubcoreMesh(
        core_axis_name="c", subcore_axis_name="s",
        num_cores=NC, num_subcores=NS),
    compiler_params=pltpu.CompilerParams(use_tc_tiling_on_sc=False),
    scratch_types=[
        pltpu.VMEM((K, B), jnp.int32),
        pltpu.VMEM((K, B), jnp.int32),
        pltpu.VMEM((B, H), jnp.float32),
        pltpu.VMEM((B, H), jnp.float32),
        pltpu.VMEM((B, 16), jnp.float32),
        pltpu.VMEM_SHARED((NPAD, H), jnp.float32),
        pltpu.VMEM_SHARED((NPAD, 16), jnp.float32),
        pltpu.SemaphoreType.DMA,
        pltpu.SemaphoreType.DMA,
    ],
)(_sc_body)


R = 80


def _tc_body(lo_ref, hi_ref, cnt_ref, x_ref, wl_ref, wr_ref, b_ref, o_ref):
    cnt = cnt_ref[:, 0:1]
    inv = 1.0 / jnp.maximum(cnt, 1.0)
    agg = jnp.concatenate([lo_ref[...], hi_ref[...]], axis=1) * inv
    acc = jnp.dot(agg, wl_ref[...], preferred_element_type=jnp.float32)
    acc = acc + jnp.dot(x_ref[...], wr_ref[...], preferred_element_type=jnp.float32)
    o_ref[...] = jnp.maximum(acc + b_ref[...], 0.0)


def kernel(x, edge_index, W_l, b_l, W_r):
    src = edge_index[0].astype(jnp.int32)
    dst = edge_index[1].astype(jnp.int32)
    pad = EP - E
    src_p = jnp.concatenate([src, jnp.zeros((pad,), jnp.int32)])
    dst_p = jnp.concatenate([dst, jnp.full((pad,), NPAD - 1, jnp.int32)])
    src3 = src_p.reshape(NS, NB, B)
    dst3 = dst_p.reshape(NS, NB, B)
    xcat = jnp.concatenate([x[:, :H], x[:, H:]], axis=0)
    src4 = jnp.stack([src3, src3 + N])
    zrow = jnp.zeros((RPT, H), jnp.float32)
    zcnt = jnp.zeros((RPT, 16), jnp.float32)
    ones = jnp.ones((B, 16), jnp.float32)

    agg_cat, cnt_cat = _sc_aggregate(xcat, src4, dst3, zrow, zcnt, ones)

    out = pl.pallas_call(
        _tc_body,
        out_shape=jax.ShapeDtypeStruct((N, D), jnp.float32),
        grid=(N // R,),
        in_specs=[
            pl.BlockSpec((R, H), lambda i: (i, 0)),
            pl.BlockSpec((R, H), lambda i: (i + NPAD // R, 0)),
            pl.BlockSpec((R, 16), lambda i: (i, 0)),
            pl.BlockSpec((R, D), lambda i: (i, 0)),
            pl.BlockSpec((D, D), lambda i: (0, 0)),
            pl.BlockSpec((D, D), lambda i: (0, 0)),
            pl.BlockSpec((1, D), lambda i: (0, 0)),
        ],
        out_specs=pl.BlockSpec((R, D), lambda i: (i, 0)),
    )(agg_cat, agg_cat, cnt_cat, x, W_l.T, W_r.T, b_l.reshape(1, D))
    return out

# --- scband reference (transcript-rebuilt; emitter-appended) ---
"""Pipeline reference for scband-gnn-35691178230507 (READ-ONLY COPY).

The authoritative reference and input builder live on the scoring server;
editing this copy changes nothing except your own understanding.
"""

import jax, jax.numpy as jnp
import numpy as np

N_NODES = 10000
N_EDGES = 160000
D = 256


def setup_inputs(seed: int = 0) -> dict:
    key = jax.random.key(seed)
    k_x, k_e, k_wl, k_bl, k_wr = jax.random.split(key, 5)
    x = jax.random.normal(k_x, (N_NODES, D), dtype=jnp.float32)
    edge_index = jax.random.randint(k_e, (2, N_EDGES), 0, N_NODES, dtype=jnp.int64)
    # SAGEConv params (PyG-style): lin_l (neighbor/aggregated path, with bias), lin_r (root path, no bias)
    scale = 1.0 / np.sqrt(D)
    W_l = jax.random.uniform(k_wl, (D, D), dtype=jnp.float32, minval=-scale, maxval=scale)
    b_l = jax.random.uniform(k_bl, (D,), dtype=jnp.float32, minval=-scale, maxval=scale)
    W_r = jax.random.uniform(k_wr, (D, D), dtype=jnp.float32, minval=-scale, maxval=scale)
    return {"x": x, "edge_index": edge_index, "W_l": W_l, "b_l": b_l, "W_r": W_r}


def reference(x, edge_index, W_l, b_l, W_r):
    # SAGEConv with mean aggregation: out = lin_l(mean_{j in N(i)} x_j) + lin_r(x_i)
    src = edge_index[0]
    dst = edge_index[1]
    msgs = jnp.take(x, src, axis=0)
    agg = jax.ops.segment_sum(msgs, dst, num_segments=N_NODES)
    cnt = jax.ops.segment_sum(jnp.ones((N_EDGES,), dtype=x.dtype), dst, num_segments=N_NODES)
    agg = agg / jnp.clip(cnt, 1.0, None)[:, None]
    out = agg @ W_l.T + b_l + x @ W_r.T
    # F.relu(conv1(...)); dropout is identity in eval mode; conv2 is unused in forward
    return jax.nn.relu(out)

if __name__ == "__main__":
    import jax
    _d = setup_inputs()
    print(jax.jit(kernel)(*tuple(_d.values())))

</pallas_src>

<mosaic_0001>
#map = affine_map<(d0, d1) -> (0, 0)>
#map1 = affine_map<(d0, d1) -> (0, 0, 0, 0)>
#map2 = affine_map<(d0, d1) -> (0, 0, 0)>
module attributes {stable_mosaic.version = 14 : i64} {
  func.func @_sc_body(%arg0: i32, %arg1: i32, %arg2: memref<20000x128xf32, #tpu.memory_space<hbm>>, %arg3: memref<2x16x80x128xi32, #tpu.memory_space<hbm>>, %arg4: memref<16x80x128xi32, #tpu.memory_space<hbm>>, %arg5: memref<640x128xf32, #tpu.memory_space<hbm>>, %arg6: memref<640x16xf32, #tpu.memory_space<hbm>>, %arg7: memref<128x16xf32, #tpu.memory_space<hbm>>, %arg8: memref<20480x128xf32, #tpu.memory_space<hbm>>, %arg9: memref<20480x16xf32, #tpu.memory_space<hbm>>, %arg10: memref<8x128xi32, #tpu.memory_space<vmem>>, %arg11: memref<8x128xi32, #tpu.memory_space<vmem>>, %arg12: memref<128x128xf32, #tpu.memory_space<vmem>>, %arg13: memref<128x128xf32, #tpu.memory_space<vmem>>, %arg14: memref<128x16xf32, #tpu.memory_space<vmem>>, %arg15: memref<10240x128xf32, #tpu.memory_space<vmem_shared>>, %arg16: memref<10240x16xf32, #tpu.memory_space<vmem_shared>>, %arg17: memref<!tpu.dma_semaphore, #tpu.memory_space<semaphore_mem>>, %arg18: memref<!tpu.dma_semaphore, #tpu.memory_space<semaphore_mem>>) attributes {dimension_semantics = [#tpu.dimension_semantics<core_parallel>, #tpu.dimension_semantics<subcore_parallel>], iteration_bounds = array<i64: 2, 16>, scalar_prefetch = 0 : i64, scratch_operands = 9 : i64, tpu.core_type = #tpu.core_type<sc_vector_subcore>, window_params = [{transform_indices = #map}, {transform_indices = #map1}, {transform_indices = #map2}, {transform_indices = #map}, {transform_indices = #map}, {transform_indices = #map}, {transform_indices = #map}, {transform_indices = #map}]} {
    "tpu.region"() ({
      %run_scoped3A = tpu.sem_alloc : memref<!tpu.dma_semaphore, #tpu.memory_space<semaphore_mem>>
      tpu.enqueue_dma source(%arg7 : memref<128x16xf32, #tpu.memory_space<hbm>>) target(%arg14 : memref<128x16xf32, #tpu.memory_space<vmem>>) target_semaphore(%run_scoped3A : memref<!tpu.dma_semaphore, #tpu.memory_space<semaphore_mem>>)
      tpu.wait_dma2 semaphore(%run_scoped3A : memref<!tpu.dma_semaphore, #tpu.memory_space<semaphore_mem>>) src(%arg7 : memref<128x16xf32, #tpu.memory_space<hbm>>) dst(%arg14 : memref<128x16xf32, #tpu.memory_space<vmem>>)
      tpu.yield
    }) : () -> ()
    %mul3A = arith.constant 640 : i32
    %mul3A_0 = arith.muli %arg1, %mul3A : i32
    "tpu.region"() ({
      %run_scoped3A = tpu.sem_alloc : memref<!tpu.dma_semaphore, #tpu.memory_space<semaphore_mem>>
      %dma_start3A = arith.constant 0 : i32
      %dma_start3A_16 = tpu.memref_slice %arg15[%mul3A_0, %dma_start3A] : memref<10240x128xf32, #tpu.memory_space<vmem_shared>> -> memref<640x128xf32, #tpu.memory_space<vmem_shared>>
      tpu.enqueue_dma source(%arg5 : memref<640x128xf32, #tpu.memory_space<hbm>>) target(%dma_start3A_16 : memref<640x128xf32, #tpu.memory_space<vmem_shared>>) target_semaphore(%run_scoped3A : memref<!tpu.dma_semaphore, #tpu.memory_space<semaphore_mem>>)
      %dma_wait3A = arith.constant 0 : i32
      %dma_wait3A_17 = tpu.memref_slice %arg15[%mul3A_0, %dma_wait3A] : memref<10240x128xf32, #tpu.memory_space<vmem_shared>> -> memref<640x128xf32, #tpu.memory_space<vmem_shared>>
      tpu.wait_dma2 semaphore(%run_scoped3A : memref<!tpu.dma_semaphore, #tpu.memory_space<semaphore_mem>>) src(%arg5 : memref<640x128xf32, #tpu.memory_space<hbm>>) dst(%dma_wait3A_17 : memref<640x128xf32, #tpu.memory_space<vmem_shared>>)
      tpu.yield
    }) : () -> ()
    %mul3A_1 = arith.constant 640 : i32
    %mul3A_2 = arith.muli %arg1, %mul3A_1 : i32
    "tpu.region"() ({
      %run_scoped3A = tpu.sem_alloc : memref<!tpu.dma_semaphore, #tpu.memory_space<semaphore_mem>>
      %dma_start3A = arith.constant 0 : i32
      %dma_start3A_16 = tpu.memref_slice %arg16[%mul3A_2, %dma_start3A] : memref<10240x16xf32, #tpu.memory_space<vmem_shared>> -> memref<640x16xf32, #tpu.memory_space<vmem_shared>>
      tpu.enqueue_dma source(%arg6 : memref<640x16xf32, #tpu.memory_space<hbm>>) target(%dma_start3A_16 : memref<640x16xf32, #tpu.memory_space<vmem_shared>>) target_semaphore(%run_scoped3A : memref<!tpu.dma_semaphore, #tpu.memory_space<semaphore_mem>>)
      %dma_wait3A = arith.constant 0 : i32
      %dma_wait3A_17 = tpu.memref_slice %arg16[%mul3A_2, %dma_wait3A] : memref<10240x16xf32, #tpu.memory_space<vmem_shared>> -> memref<640x16xf32, #tpu.memory_space<vmem_shared>>
      tpu.wait_dma2 semaphore(%run_scoped3A : memref<!tpu.dma_semaphore, #tpu.memory_space<semaphore_mem>>) src(%arg6 : memref<640x16xf32, #tpu.memory_space<hbm>>) dst(%dma_wait3A_17 : memref<640x16xf32, #tpu.memory_space<vmem_shared>>)
      tpu.yield
    }) : () -> ()
    %barrier3A = arith.constant 0 : index
    tpu.barrier barrier_id(%barrier3A)
    %scan3A = arith.constant 0 : i32
    %scan3A_3 = arith.constant 0 : i32
    %scan3A_4 = arith.constant 10 : i32
    %scan3A_5 = arith.addi %scan3A_3, %scan3A_4 : i32
    %scan3A_6 = arith.constant 1 : i32
    scf.for %scan3A_16 = %scan3A_3 to %scan3A_5 step %scan3A_6  : i32 {
      %mul3A_17 = arith.constant 8 : i32
      %mul3A_18 = arith.muli %scan3A_16, %mul3A_17 : i32
      "tpu.region"() ({
        %run_scoped3A_146 = tpu.sem_alloc : memref<!tpu.dma_semaphore, #tpu.memory_space<semaphore_mem>>
        %dma_start3A_147 = arith.constant 0 : i32
        %dma_start3A_148 = arith.constant 0 : i32
        %dma_start3A_149 = tpu.memref_slice %arg3[%arg0, %arg1, %dma_start3A_147, %dma_start3A_148] : memref<2x16x80x128xi32, #tpu.memory_space<hbm>> -> memref<1x1x80x128xi32, #tpu.memory_space<hbm>>
        %dma_start3A_150 = tpu.memref_squeeze %dma_start3A_149 : memref<1x1x80x128xi32, #tpu.memory_space<hbm>> -> memref<80x128xi32, #tpu.memory_space<hbm>>
        %dma_start3A_151 = arith.constant 0 : i32
        %dma_start3A_152 = tpu.memref_slice %dma_start3A_150[%mul3A_18, %dma_start3A_151] : memref<80x128xi32, #tpu.memory_space<hbm>> -> memref<8x128xi32, #tpu.memory_space<hbm>>
        %dma_start3A_153 = arith.constant 0 : i32
        %dma_start3A_154 = arith.constant 0 : i32
        %dma_start3A_155 = tpu.memref_slice %arg3[%arg0, %arg1, %dma_start3A_153, %dma_start3A_154] : memref<2x16x80x128xi32, #tpu.memory_space<hbm>> -> memref<1x1x80x128xi32, #tpu.memory_space<hbm>>
        %dma_start3A_156 = tpu.memref_squeeze %dma_start3A_155 : memref<1x1x80x128xi32, #tpu.memory_space<hbm>> -> memref<80x128xi32, #tpu.memory_space<hbm>>
        %dma_start3A_157 = arith.constant 0 : i32
        %dma_start3A_158 = tpu.memref_slice %dma_start3A_156[%mul3A_18, %dma_start3A_157] : memref<80x128xi32, #tpu.memory_space<hbm>> -> memref<8x128xi32, #tpu.memory_space<hbm>>
        tpu.enqueue_dma source(%dma_start3A_158 : memref<8x128xi32, #tpu.memory_space<hbm>>) target(%arg10 : memref<8x128xi32, #tpu.memory_space<vmem>>) target_semaphore(%run_scoped3A_146 : memref<!tpu.dma_semaphore, #tpu.memory_space<semaphore_mem>>)
        %dma_wait3A_159 = arith.constant 0 : i32
        %dma_wait3A_160 = arith.constant 0 : i32
        %dma_wait3A_161 = tpu.memref_slice %arg3[%arg0, %arg1, %dma_wait3A_159, %dma_wait3A_160] : memref<2x16x80x128xi32, #tpu.memory_space<hbm>> -> memref<1x1x80x128xi32, #tpu.memory_space<hbm>>
        %dma_wait3A_162 = tpu.memref_squeeze %dma_wait3A_161 : memref<1x1x80x128xi32, #tpu.memory_space<hbm>> -> memref<80x128xi32, #tpu.memory_space<hbm>>
        %dma_wait3A_163 = arith.constant 0 : i32
        %dma_wait3A_164 = tpu.memref_slice %dma_wait3A_162[%mul3A_18, %dma_wait3A_163] : memref<80x128xi32, #tpu.memory_space<hbm>> -> memref<8x128xi32, #tpu.memory_space<hbm>>
        %dma_wait3A_165 = arith.constant 0 : i32
        %dma_wait3A_166 = arith.constant 0 : i32
        %dma_wait3A_167 = tpu.memref_slice %arg3[%arg0, %arg1, %dma_wait3A_165, %dma_wait3A_166] : memref<2x16x80x128xi32, #tpu.memory_space<hbm>> -> memref<1x1x80x128xi32, #tpu.memory_space<hbm>>
        %dma_wait3A_168 = tpu.memref_squeeze %dma_wait3A_167 : memref<1x1x80x128xi32, #tpu.memory_space<hbm>> -> memref<80x128xi32, #tpu.memory_space<hbm>>
        %dma_wait3A_169 = arith.constant 0 : i32
        %dma_wait3A_170 = tpu.memref_slice %dma_wait3A_168[%mul3A_18, %dma_wait3A_169] : memref<80x128xi32, #tpu.memory_space<hbm>> -> memref<8x128xi32, #tpu.memory_space<hbm>>
        tpu.wait_dma2 semaphore(%run_scoped3A_146 : memref<!tpu.dma_semaphore, #tpu.memory_space<semaphore_mem>>) src(%dma_wait3A_170 : memref<8x128xi32, #tpu.memory_space<hbm>>) dst(%arg10 : memref<8x128xi32, #tpu.memory_space<vmem>>)
        tpu.yield
      }) : () -> ()
      %mul3A_19 = arith.constant 8 : i32
      %mul3A_20 = arith.muli %scan3A_16, %mul3A_19 : i32
      "tpu.region"() ({
        %run_scoped3A_146 = tpu.sem_alloc : memref<!tpu.dma_semaphore, #tpu.memory_space<semaphore_mem>>
        %dma_start3A_147 = arith.constant 0 : i32
        %dma_start3A_148 = arith.constant 0 : i32
        %dma_start3A_149 = tpu.memref_slice %arg4[%arg1, %dma_start3A_147, %dma_start3A_148] : memref<16x80x128xi32, #tpu.memory_space<hbm>> -> memref<1x80x128xi32, #tpu.memory_space<hbm>>
        %dma_start3A_150 = tpu.memref_squeeze %dma_start3A_149 : memref<1x80x128xi32, #tpu.memory_space<hbm>> -> memref<80x128xi32, #tpu.memory_space<hbm>>
        %dma_start3A_151 = arith.constant 0 : i32
        %dma_start3A_152 = tpu.memref_slice %dma_start3A_150[%mul3A_20, %dma_start3A_151] : memref<80x128xi32, #tpu.memory_space<hbm>> -> memref<8x128xi32, #tpu.memory_space<hbm>>
        %dma_start3A_153 = arith.constant 0 : i32
        %dma_start3A_154 = arith.constant 0 : i32
        %dma_start3A_155 = tpu.memref_slice %arg4[%arg1, %dma_start3A_153, %dma_start3A_154] : memref<16x80x128xi32, #tpu.memory_space<hbm>> -> memref<1x80x128xi32, #tpu.memory_space<hbm>>
        %dma_start3A_156 = tpu.memref_squeeze %dma_start3A_155 : memref<1x80x128xi32, #tpu.memory_space<hbm>> -> memref<80x128xi32, #tpu.memory_space<hbm>>
        %dma_start3A_157 = arith.constant 0 : i32
        %dma_start3A_158 = tpu.memref_slice %dma_start3A_156[%mul3A_20, %dma_start3A_157] : memref<80x128xi32, #tpu.memory_space<hbm>> -> memref<8x128xi32, #tpu.memory_space<hbm>>
        tpu.enqueue_dma source(%dma_start3A_158 : memref<8x128xi32, #tpu.memory_space<hbm>>) target(%arg11 : memref<8x128xi32, #tpu.memory_space<vmem>>) target_semaphore(%run_scoped3A_146 : memref<!tpu.dma_semaphore, #tpu.memory_space<semaphore_mem>>)
        %dma_wait3A_159 = arith.constant 0 : i32
        %dma_wait3A_160 = arith.constant 0 : i32
        %dma_wait3A_161 = tpu.memref_slice %arg4[%arg1, %dma_wait3A_159, %dma_wait3A_160] : memref<16x80x128xi32, #tpu.memory_space<hbm>> -> memref<1x80x128xi32, #tpu.memory_space<hbm>>
        %dma_wait3A_162 = tpu.memref_squeeze %dma_wait3A_161 : memref<1x80x128xi32, #tpu.memory_space<hbm>> -> memref<80x128xi32, #tpu.memory_space<hbm>>
        %dma_wait3A_163 = arith.constant 0 : i32
        %dma_wait3A_164 = tpu.memref_slice %dma_wait3A_162[%mul3A_20, %dma_wait3A_163] : memref<80x128xi32, #tpu.memory_space<hbm>> -> memref<8x128xi32, #tpu.memory_space<hbm>>
        %dma_wait3A_165 = arith.constant 0 : i32
        %dma_wait3A_166 = arith.constant 0 : i32
        %dma_wait3A_167 = tpu.memref_slice %arg4[%arg1, %dma_wait3A_165, %dma_wait3A_166] : memref<16x80x128xi32, #tpu.memory_space<hbm>> -> memref<1x80x128xi32, #tpu.memory_space<hbm>>
        %dma_wait3A_168 = tpu.memref_squeeze %dma_wait3A_167 : memref<1x80x128xi32, #tpu.memory_space<hbm>> -> memref<80x128xi32, #tpu.memory_space<hbm>>
        %dma_wait3A_169 = arith.constant 0 : i32
        %dma_wait3A_170 = tpu.memref_slice %dma_wait3A_168[%mul3A_20, %dma_wait3A_169] : memref<80x128xi32, #tpu.memory_space<hbm>> -> memref<8x128xi32, #tpu.memory_space<hbm>>
        tpu.wait_dma2 semaphore(%run_scoped3A_146 : memref<!tpu.dma_semaphore, #tpu.memory_space<semaphore_mem>>) src(%dma_wait3A_170 : memref<8x128xi32, #tpu.memory_space<hbm>>) dst(%arg11 : memref<8x128xi32, #tpu.memory_space<vmem>>)
        tpu.yield
      }) : () -> ()
      %dma_start3A = arith.constant 0 : i32
      %dma_start3A_21 = arith.constant 0 : i32
      %dma_start3A_22 = tpu.memref_slice %arg10[%dma_start3A, %dma_start3A_21] : memref<8x128xi32, #tpu.memory_space<vmem>> -> memref<1x128xi32, #tpu.memory_space<vmem>>
      %dma_start3A_23 = tpu.memref_squeeze %dma_start3A_22 : memref<1x128xi32, #tpu.memory_space<vmem>> -> memref<128xi32, #tpu.memory_space<vmem>>
      %dma_start3A_24 = arith.constant 0 : i32
      %dma_start3A_25 = arith.constant 0 : i32
      %dma_start3A_26 = tpu.memref_slice %arg2[%dma_start3A_24, %dma_start3A_25] : memref<20000x128xf32, #tpu.memory_space<hbm>> -> memref<20000x128xf32, #tpu.memory_space<hbm>>
      tpu.enqueue_indirect_dma source(%dma_start3A_26 : memref<20000x128xf32, #tpu.memory_space<hbm>>) target(%arg12 : memref<128x128xf32, #tpu.memory_space<vmem>>) offsets(%dma_start3A_23 : memref<128xi32, #tpu.memory_space<vmem>>) semaphore(%arg17 : memref<!tpu.dma_semaphore, #tpu.memory_space<semaphore_mem>>)
      %dma_start3A_27 = arith.constant 1 : i32
      %dma_start3A_28 = arith.constant 0 : i32
      %dma_start3A_29 = tpu.memref_slice %arg10[%dma_start3A_27, %dma_start3A_28] : memref<8x128xi32, #tpu.memory_space<vmem>> -> memref<1x128xi32, #tpu.memory_space<vmem>>
      %dma_start3A_30 = tpu.memref_squeeze %dma_start3A_29 : memref<1x128xi32, #tpu.memory_space<vmem>> -> memref<128xi32, #tpu.memory_space<vmem>>
      %dma_start3A_31 = arith.constant 0 : i32
      %dma_start3A_32 = arith.constant 0 : i32
      %dma_start3A_33 = tpu.memref_slice %arg2[%dma_start3A_31, %dma_start3A_32] : memref<20000x128xf32, #tpu.memory_space<hbm>> -> memref<20000x128xf32, #tpu.memory_space<hbm>>
      tpu.enqueue_indirect_dma source(%dma_start3A_33 : memref<20000x128xf32, #tpu.memory_space<hbm>>) target(%arg13 : memref<128x128xf32, #tpu.memory_space<vmem>>) offsets(%dma_start3A_30 : memref<128xi32, #tpu.memory_space<vmem>>) semaphore(%arg18 : memref<!tpu.dma_semaphore, #tpu.memory_space<semaphore_mem>>)
      %dma_wait3A = arith.constant 0 : i32
      %dma_wait3A_34 = arith.constant 0 : i32
      %dma_wait3A_35 = tpu.memref_slice %arg10[%dma_wait3A, %dma_wait3A_34] : memref<8x128xi32, #tpu.memory_space<vmem>> -> memref<1x128xi32, #tpu.memory_space<vmem>>
      %dma_wait3A_36 = tpu.memref_squeeze %dma_wait3A_35 : memref<1x128xi32, #tpu.memory_space<vmem>> -> memref<128xi32, #tpu.memory_space<vmem>>
      %dma_wait3A_37 = arith.constant 0 : i32
      %dma_wait3A_38 = arith.constant 0 : i32
      %dma_wait3A_39 = tpu.memref_slice %arg2[%dma_wait3A_37, %dma_wait3A_38] : memref<20000x128xf32, #tpu.memory_space<hbm>> -> memref<20000x128xf32, #tpu.memory_space<hbm>>
      tpu.wait_indirect_dma semaphore(%arg17 : memref<!tpu.dma_semaphore, #tpu.memory_space<semaphore_mem>>) src(%dma_wait3A_39 : memref<20000x128xf32, #tpu.memory_space<hbm>>) dst(%arg12 : memref<128x128xf32, #tpu.memory_space<vmem>>)
      %run_scoped3A = arith.constant 0 : i32
      "tpu.region"() ({
        %run_scoped3A_146 = tpu.sem_alloc : memref<!tpu.dma_semaphore, #tpu.memory_space<semaphore_mem>>
        %dma_start3A_147 = arith.constant 0 : i32
        %dma_start3A_148 = tpu.memref_slice %arg11[%run_scoped3A, %dma_start3A_147] : memref<8x128xi32, #tpu.memory_space<vmem>> -> memref<1x128xi32, #tpu.memory_space<vmem>>
        %dma_start3A_149 = tpu.memref_squeeze %dma_start3A_148 : memref<1x128xi32, #tpu.memory_space<vmem>> -> memref<128xi32, #tpu.memory_space<vmem>>
        %dma_start3A_150 = arith.constant 0 : i32
        %dma_start3A_151 = arith.constant 0 : i32
        %dma_start3A_152 = tpu.memref_slice %arg15[%dma_start3A_150, %dma_start3A_151] : memref<10240x128xf32, #tpu.memory_space<vmem_shared>> -> memref<10240x128xf32, #tpu.memory_space<vmem_shared>>
        tpu.enqueue_indirect_dma source(%arg12 : memref<128x128xf32, #tpu.memory_space<vmem>>) target(%dma_start3A_152 : memref<10240x128xf32, #tpu.memory_space<vmem_shared>>) offsets(%dma_start3A_149 : memref<128xi32, #tpu.memory_space<vmem>>) semaphore(%run_scoped3A_146 : memref<!tpu.dma_semaphore, #tpu.memory_space<semaphore_mem>>) {add = true}
        %dma_wait3A_153 = arith.constant 0 : i32
        %dma_wait3A_154 = tpu.memref_slice %arg11[%run_scoped3A, %dma_wait3A_153] : memref<8x128xi32, #tpu.memory_space<vmem>> -> memref<1x128xi32, #tpu.memory_space<vmem>>
        %dma_wait3A_155 = tpu.memref_squeeze %dma_wait3A_154 : memref<1x128xi32, #tpu.memory_space<vmem>> -> memref<128xi32, #tpu.memory_space<vmem>>
        %dma_wait3A_156 = arith.constant 0 : i32
        %dma_wait3A_157 = arith.constant 0 : i32
        %dma_wait3A_158 = tpu.memref_slice %arg15[%dma_wait3A_156, %dma_wait3A_157] : memref<10240x128xf32, #tpu.memory_space<vmem_shared>> -> memref<10240x128xf32, #tpu.memory_space<vmem_shared>>
        tpu.wait_indirect_dma semaphore(%run_scoped3A_146 : memref<!tpu.dma_semaphore, #tpu.memory_space<semaphore_mem>>) src(%arg12 : memref<128x128xf32, #tpu.memory_space<vmem>>) dst(%dma_wait3A_158 : memref<10240x128xf32, #tpu.memory_space<vmem_shared>>)
        tpu.yield
      }) : () -> ()
      %run_scoped3A_40 = arith.constant 0 : i32
      "tpu.region"() ({
        %run_scoped3A_146 = tpu.sem_alloc : memref<!tpu.dma_semaphore, #tpu.memory_space<semaphore_mem>>
        %dma_start3A_147 = arith.constant 0 : i32
        %dma_start3A_148 = tpu.memref_slice %arg11[%run_scoped3A_40, %dma_start3A_147] : memref<8x128xi32, #tpu.memory_space<vmem>> -> memref<1x128xi32, #tpu.memory_space<vmem>>
        %dma_start3A_149 = tpu.memref_squeeze %dma_start3A_148 : memref<1x128xi32, #tpu.memory_space<vmem>> -> memref<128xi32, #tpu.memory_space<vmem>>
        %dma_start3A_150 = arith.constant 0 : i32
        %dma_start3A_151 = arith.constant 0 : i32
        %dma_start3A_152 = tpu.memref_slice %arg16[%dma_start3A_150, %dma_start3A_151] : memref<10240x16xf32, #tpu.memory_space<vmem_shared>> -> memref<10240x16xf32, #tpu.memory_space<vmem_shared>>
        tpu.enqueue_indirect_dma source(%arg14 : memref<128x16xf32, #tpu.memory_space<vmem>>) target(%dma_start3A_152 : memref<10240x16xf32, #tpu.memory_space<vmem_shared>>) offsets(%dma_start3A_149 : memref<128xi32, #tpu.memory_space<vmem>>) semaphore(%run_scoped3A_146 : memref<!tpu.dma_semaphore, #tpu.memory_space<semaphore_mem>>) {add = true}
        %dma_wait3A_153 = arith.constant 0 : i32
        %dma_wait3A_154 = tpu.memref_slice %arg11[%run_scoped3A_40, %dma_wait3A_153] : memref<8x128xi32, #tpu.memory_space<vmem>> -> memref<1x128xi32, #tpu.memory_space<vmem>>
        %dma_wait3A_155 = tpu.memref_squeeze %dma_wait3A_154 : memref<1x128xi32, #tpu.memory_space<vmem>> -> memref<128xi32, #tpu.memory_space<vmem>>
        %dma_wait3A_156 = arith.constant 0 : i32
        %dma_wait3A_157 = arith.constant 0 : i32
        %dma_wait3A_158 = tpu.memref_slice %arg16[%dma_wait3A_156, %dma_wait3A_157] : memref<10240x16xf32, #tpu.memory_space<vmem_shared>> -> memref<10240x16xf32, #tpu.memory_space<vmem_shared>>
        tpu.wait_indirect_dma semaphore(%run_scoped3A_146 : memref<!tpu.dma_semaphore, #tpu.memory_space<semaphore_mem>>) src(%arg14 : memref<128x16xf32, #tpu.memory_space<vmem>>) dst(%dma_wait3A_158 : memref<10240x16xf32, #tpu.memory_space<vmem_shared>>)
        tpu.yield
      }) : () -> ()
      %dma_start3A_41 = arith.constant 2 : i32
      %dma_start3A_42 = arith.constant 0 : i32
      %dma_start3A_43 = tpu.memref_slice %arg10[%dma_start3A_41, %dma_start3A_42] : memref<8x128xi32, #tpu.memory_space<vmem>> -> memref<1x128xi32, #tpu.memory_space<vmem>>
      %dma_start3A_44 = tpu.memref_squeeze %dma_start3A_43 : memref<1x128xi32, #tpu.memory_space<vmem>> -> memref<128xi32, #tpu.memory_space<vmem>>
      %dma_start3A_45 = arith.constant 0 : i32
      %dma_start3A_46 = arith.constant 0 : i32
      %dma_start3A_47 = tpu.memref_slice %arg2[%dma_start3A_45, %dma_start3A_46] : memref<20000x128xf32, #tpu.memory_space<hbm>> -> memref<20000x128xf32, #tpu.memory_space<hbm>>
      tpu.enqueue_indirect_dma source(%dma_start3A_47 : memref<20000x128xf32, #tpu.memory_space<hbm>>) target(%arg12 : memref<128x128xf32, #tpu.memory_space<vmem>>) offsets(%dma_start3A_44 : memref<128xi32, #tpu.memory_space<vmem>>) semaphore(%arg17 : memref<!tpu.dma_semaphore, #tpu.memory_space<semaphore_mem>>)
      %dma_wait3A_48 = arith.constant 0 : i32
      %dma_wait3A_49 = arith.constant 0 : i32
      %dma_wait3A_50 = tpu.memref_slice %arg10[%dma_wait3A_48, %dma_wait3A_49] : memref<8x128xi32, #tpu.memory_space<vmem>> -> memref<1x128xi32, #tpu.memory_space<vmem>>
      %dma_wait3A_51 = tpu.memref_squeeze %dma_wait3A_50 : memref<1x128xi32, #tpu.memory_space<vmem>> -> memref<128xi32, #tpu.memory_space<vmem>>
      %dma_wait3A_52 = arith.constant 0 : i32
      %dma_wait3A_53 = arith.constant 0 : i32
      %dma_wait3A_54 = tpu.memref_slice %arg2[%dma_wait3A_52, %dma_wait3A_53] : memref<20000x128xf32, #tpu.memory_space<hbm>> -> memref<20000x128xf32, #tpu.memory_space<hbm>>
      tpu.wait_indirect_dma semaphore(%arg18 : memref<!tpu.dma_semaphore, #tpu.memory_space<semaphore_mem>>) src(%dma_wait3A_54 : memref<20000x128xf32, #tpu.memory_space<hbm>>) dst(%arg13 : memref<128x128xf32, #tpu.memory_space<vmem>>)
      %run_scoped3A_55 = arith.constant 1 : i32
      "tpu.region"() ({
        %run_scoped3A_146 = tpu.sem_alloc : memref<!tpu.dma_semaphore, #tpu.memory_space<semaphore_mem>>
        %dma_start3A_147 = arith.constant 0 : i32
        %dma_start3A_148 = tpu.memref_slice %arg11[%run_scoped3A_55, %dma_start3A_147] : memref<8x128xi32, #tpu.memory_space<vmem>> -> memref<1x128xi32, #tpu.memory_space<vmem>>
        %dma_start3A_149 = tpu.memref_squeeze %dma_start3A_148 : memref<1x128xi32, #tpu.memory_space<vmem>> -> memref<128xi32, #tpu.memory_space<vmem>>
        %dma_start3A_150 = arith.constant 0 : i32
        %dma_start3A_151 = arith.constant 0 : i32
        %dma_start3A_152 = tpu.memref_slice %arg15[%dma_start3A_150, %dma_start3A_151] : memref<10240x128xf32, #tpu.memory_space<vmem_shared>> -> memref<10240x128xf32, #tpu.memory_space<vmem_shared>>
        tpu.enqueue_indirect_dma source(%arg13 : memref<128x128xf32, #tpu.memory_space<vmem>>) target(%dma_start3A_152 : memref<10240x128xf32, #tpu.memory_space<vmem_shared>>) offsets(%dma_start3A_149 : memref<128xi32, #tpu.memory_space<vmem>>) semaphore(%run_scoped3A_146 : memref<!tpu.dma_semaphore, #tpu.memory_space<semaphore_mem>>) {add = true}
        %dma_wait3A_153 = arith.constant 0 : i32
        %dma_wait3A_154 = tpu.memref_slice %arg11[%run_scoped3A_55, %dma_wait3A_153] : memref<8x128xi32, #tpu.memory_space<vmem>> -> memref<1x128xi32, #tpu.memory_space<vmem>>
        %dma_wait3A_155 = tpu.memref_squeeze %dma_wait3A_154 : memref<1x128xi32, #tpu.memory_space<vmem>> -> memref<128xi32, #tpu.memory_space<vmem>>
        %dma_wait3A_156 = arith.constant 0 : i32
        %dma_wait3A_157 = arith.constant 0 : i32
        %dma_wait3A_158 = tpu.memref_slice %arg15[%dma_wait3A_156, %dma_wait3A_157] : memref<10240x128xf32, #tpu.memory_space<vmem_shared>> -> memref<10240x128xf32, #tpu.memory_space<vmem_shared>>
        tpu.wait_indirect_dma semaphore(%run_scoped3A_146 : memref<!tpu.dma_semaphore, #tpu.memory_space<semaphore_mem>>) src(%arg13 : memref<128x128xf32, #tpu.memory_space<vmem>>) dst(%dma_wait3A_158 : memref<10240x128xf32, #tpu.memory_space<vmem_shared>>)
        tpu.yield
      }) : () -> ()
      %run_scoped3A_56 = arith.constant 1 : i32
      "tpu.region"() ({
        %run_scoped3A_146 = tpu.sem_alloc : memref<!tpu.dma_semaphore, #tpu.memory_space<semaphore_mem>>
        %dma_start3A_147 = arith.constant 0 : i32
        %dma_start3A_148 = tpu.memref_slice %arg11[%run_scoped3A_56, %dma_start3A_147] : memref<8x128xi32, #tpu.memory_space<vmem>> -> memref<1x128xi32, #tpu.memory_space<vmem>>
        %dma_start3A_149 = tpu.memref_squeeze %dma_start3A_148 : memref<1x128xi32, #tpu.memory_space<vmem>> -> memref<128xi32, #tpu.memory_space<vmem>>
        %dma_start3A_150 = arith.constant 0 : i32
        %dma_start3A_151 = arith.constant 0 : i32
        %dma_start3A_152 = tpu.memref_slice %arg16[%dma_start3A_150, %dma_start3A_151] : memref<10240x16xf32, #tpu.memory_space<vmem_shared>> -> memref<10240x16xf32, #tpu.memory_space<vmem_shared>>
        tpu.enqueue_indirect_dma source(%arg14 : memref<128x16xf32, #tpu.memory_space<vmem>>) target(%dma_start3A_152 : memref<10240x16xf32, #tpu.memory_space<vmem_shared>>) offsets(%dma_start3A_149 : memref<128xi32, #tpu.memory_space<vmem>>) semaphore(%run_scoped3A_146 : memref<!tpu.dma_semaphore, #tpu.memory_space<semaphore_mem>>) {add = true}
        %dma_wait3A_153 = arith.constant 0 : i32
        %dma_wait3A_154 = tpu.memref_slice %arg11[%run_scoped3A_56, %dma_wait3A_153] : memref<8x128xi32, #tpu.memory_space<vmem>> -> memref<1x128xi32, #tpu.memory_space<vmem>>
        %dma_wait3A_155 = tpu.memref_squeeze %dma_wait3A_154 : memref<1x128xi32, #tpu.memory_space<vmem>> -> memref<128xi32, #tpu.memory_space<vmem>>
        %dma_wait3A_156 = arith.constant 0 : i32
        %dma_wait3A_157 = arith.constant 0 : i32
        %dma_wait3A_158 = tpu.memref_slice %arg16[%dma_wait3A_156, %dma_wait3A_157] : memref<10240x16xf32, #tpu.memory_space<vmem_shared>> -> memref<10240x16xf32, #tpu.memory_space<vmem_shared>>
        tpu.wait_indirect_dma semaphore(%run_scoped3A_146 : memref<!tpu.dma_semaphore, #tpu.memory_space<semaphore_mem>>) src(%arg14 : memref<128x16xf32, #tpu.memory_space<vmem>>) dst(%dma_wait3A_158 : memref<10240x16xf32, #tpu.memory_space<vmem_shared>>)
        tpu.yield
      }) : () -> ()
      %dma_start3A_57 = arith.constant 3 : i32
      %dma_start3A_58 = arith.constant 0 : i32
      %dma_start3A_59 = tpu.memref_slice %arg10[%dma_start3A_57, %dma_start3A_58] : memref<8x128xi32, #tpu.memory_space<vmem>> -> memref<1x128xi32, #tpu.memory_space<vmem>>
      %dma_start3A_60 = tpu.memref_squeeze %dma_start3A_59 : memref<1x128xi32, #tpu.memory_space<vmem>> -> memref<128xi32, #tpu.memory_space<vmem>>
      %dma_start3A_61 = arith.constant 0 : i32
      %dma_start3A_62 = arith.constant 0 : i32
      %dma_start3A_63 = tpu.memref_slice %arg2[%dma_start3A_61, %dma_start3A_62] : memref<20000x128xf32, #tpu.memory_space<hbm>> -> memref<20000x128xf32, #tpu.memory_space<hbm>>
      tpu.enqueue_indirect_dma source(%dma_start3A_63 : memref<20000x128xf32, #tpu.memory_space<hbm>>) target(%arg13 : memref<128x128xf32, #tpu.memory_space<vmem>>) offsets(%dma_start3A_60 : memref<128xi32, #tpu.memory_space<vmem>>) semaphore(%arg18 : memref<!tpu.dma_semaphore, #tpu.memory_space<semaphore_mem>>)
      %dma_wait3A_64 = arith.constant 0 : i32
      %dma_wait3A_65 = arith.constant 0 : i32
      %dma_wait3A_66 = tpu.memref_slice %arg10[%dma_wait3A_64, %dma_wait3A_65] : memref<8x128xi32, #tpu.memory_space<vmem>> -> memref<1x128xi32, #tpu.memory_space<vmem>>
      %dma_wait3A_67 = tpu.memref_squeeze %dma_wait3A_66 : memref<1x128xi32, #tpu.memory_space<vmem>> -> memref<128xi32, #tpu.memory_space<vmem>>
      %dma_wait3A_68 = arith.constant 0 : i32
      %dma_wait3A_69 = arith.constant 0 : i32
      %dma_wait3A_70 = tpu.memref_slice %arg2[%dma_wait3A_68, %dma_wait3A_69] : memref<20000x128xf32, #tpu.memory_space<hbm>> -> memref<20000x128xf32, #tpu.memory_space<hbm>>
      tpu.wait_indirect_dma semaphore(%arg17 : memref<!tpu.dma_semaphore, #tpu.memory_space<semaphore_mem>>) src(%dma_wait3A_70 : memref<20000x128xf32, #tpu.memory_space<hbm>>) dst(%arg12 : memref<128x128xf32, #tpu.memory_space<vmem>>)
      %run_scoped3A_71 = arith.constant 2 : i32
      "tpu.region"() ({
        %run_scoped3A_146 = tpu.sem_alloc : memref<!tpu.dma_semaphore, #tpu.memory_space<semaphore_mem>>
        %dma_start3A_147 = arith.constant 0 : i32
        %dma_start3A_148 = tpu.memref_slice %arg11[%run_scoped3A_71, %dma_start3A_147] : memref<8x128xi32, #tpu.memory_space<vmem>> -> memref<1x128xi32, #tpu.memory_space<vmem>>
        %dma_start3A_149 = tpu.memref_squeeze %dma_start3A_148 : memref<1x128xi32, #tpu.memory_space<vmem>> -> memref<128xi32, #tpu.memory_space<vmem>>
        %dma_start3A_150 = arith.constant 0 : i32
        %dma_start3A_151 = arith.constant 0 : i32
        %dma_start3A_152 = tpu.memref_slice %arg15[%dma_start3A_150, %dma_start3A_151] : memref<10240x128xf32, #tpu.memory_space<vmem_shared>> -> memref<10240x128xf32, #tpu.memory_space<vmem_shared>>
        tpu.enqueue_indirect_dma source(%arg12 : memref<128x128xf32, #tpu.memory_space<vmem>>) target(%dma_start3A_152 : memref<10240x128xf32, #tpu.memory_space<vmem_shared>>) offsets(%dma_start3A_149 : memref<128xi32, #tpu.memory_space<vmem>>) semaphore(%run_scoped3A_146 : memref<!tpu.dma_semaphore, #tpu.memory_space<semaphore_mem>>) {add = true}
        %dma_wait3A_153 = arith.constant 0 : i32
        %dma_wait3A_154 = tpu.memref_slice %arg11[%run_scoped3A_71, %dma_wait3A_153] : memref<8x128xi32, #tpu.memory_space<vmem>> -> memref<1x128xi32, #tpu.memory_space<vmem>>
        %dma_wait3A_155 = tpu.memref_squeeze %dma_wait3A_154 : memref<1x128xi32, #tpu.memory_space<vmem>> -> memref<128xi32, #tpu.memory_space<vmem>>
        %dma_wait3A_156 = arith.constant 0 : i32
        %dma_wait3A_157 = arith.constant 0 : i32
        %dma_wait3A_158 = tpu.memref_slice %arg15[%dma_wait3A_156, %dma_wait3A_157] : memref<10240x128xf32, #tpu.memory_space<vmem_shared>> -> memref<10240x128xf32, #tpu.memory_space<vmem_shared>>
        tpu.wait_indirect_dma semaphore(%run_scoped3A_146 : memref<!tpu.dma_semaphore, #tpu.memory_space<semaphore_mem>>) src(%arg12 : memref<128x128xf32, #tpu.memory_space<vmem>>) dst(%dma_wait3A_158 : memref<10240x128xf32, #tpu.memory_space<vmem_shared>>)
        tpu.yield
      }) : () -> ()
      %run_scoped3A_72 = arith.constant 2 : i32
      "tpu.region"() ({
        %run_scoped3A_146 = tpu.sem_alloc : memref<!tpu.dma_semaphore, #tpu.memory_space<semaphore_mem>>
        %dma_start3A_147 = arith.constant 0 : i32
        %dma_start3A_148 = tpu.memref_slice %arg11[%run_scoped3A_72, %dma_start3A_147] : memref<8x128xi32, #tpu.memory_space<vmem>> -> memref<1x128xi32, #tpu.memory_space<vmem>>
        %dma_start3A_149 = tpu.memref_squeeze %dma_start3A_148 : memref<1x128xi32, #tpu.memory_space<vmem>> -> memref<128xi32, #tpu.memory_space<vmem>>
        %dma_start3A_150 = arith.constant 0 : i32
        %dma_start3A_151 = arith.constant 0 : i32
        %dma_start3A_152 = tpu.memref_slice %arg16[%dma_start3A_150, %dma_start3A_151] : memref<10240x16xf32, #tpu.memory_space<vmem_shared>> -> memref<10240x16xf32, #tpu.memory_space<vmem_shared>>
        tpu.enqueue_indirect_dma source(%arg14 : memref<128x16xf32, #tpu.memory_space<vmem>>) target(%dma_start3A_152 : memref<10240x16xf32, #tpu.memory_space<vmem_shared>>) offsets(%dma_start3A_149 : memref<128xi32, #tpu.memory_space<vmem>>) semaphore(%run_scoped3A_146 : memref<!tpu.dma_semaphore, #tpu.memory_space<semaphore_mem>>) {add = true}
        %dma_wait3A_153 = arith.constant 0 : i32
        %dma_wait3A_154 = tpu.memref_slice %arg11[%run_scoped3A_72, %dma_wait3A_153] : memref<8x128xi32, #tpu.memory_space<vmem>> -> memref<1x128xi32, #tpu.memory_space<vmem>>
        %dma_wait3A_155 = tpu.memref_squeeze %dma_wait3A_154 : memref<1x128xi32, #tpu.memory_space<vmem>> -> memref<128xi32, #tpu.memory_space<vmem>>
        %dma_wait3A_156 = arith.constant 0 : i32
        %dma_wait3A_157 = arith.constant 0 : i32
        %dma_wait3A_158 = tpu.memref_slice %arg16[%dma_wait3A_156, %dma_wait3A_157] : memref<10240x16xf32, #tpu.memory_space<vmem_shared>> -> memref<10240x16xf32, #tpu.memory_space<vmem_shared>>
        tpu.wait_indirect_dma semaphore(%run_scoped3A_146 : memref<!tpu.dma_semaphore, #tpu.memory_space<semaphore_mem>>) src(%arg14 : memref<128x16xf32, #tpu.memory_space<vmem>>) dst(%dma_wait3A_158 : memref<10240x16xf32, #tpu.memory_space<vmem_shared>>)
        tpu.yield
      }) : () -> ()
      %dma_start3A_73 = arith.constant 4 : i32
      %dma_start3A_74 = arith.constant 0 : i32
      %dma_start3A_75 = tpu.memref_slice %arg10[%dma_start3A_73, %dma_start3A_74] : memref<8x128xi32, #tpu.memory_space<vmem>> -> memref<1x128xi32, #tpu.memory_space<vmem>>
      %dma_start3A_76 = tpu.memref_squeeze %dma_start3A_75 : memref<1x128xi32, #tpu.memory_space<vmem>> -> memref<128xi32, #tpu.memory_space<vmem>>
      %dma_start3A_77 = arith.constant 0 : i32
      %dma_start3A_78 = arith.constant 0 : i32
      %dma_start3A_79 = tpu.memref_slice %arg2[%dma_start3A_77, %dma_start3A_78] : memref<20000x128xf32, #tpu.memory_space<hbm>> -> memref<20000x128xf32, #tpu.memory_space<hbm>>
      tpu.enqueue_indirect_dma source(%dma_start3A_79 : memref<20000x128xf32, #tpu.memory_space<hbm>>) target(%arg12 : memref<128x128xf32, #tpu.memory_space<vmem>>) offsets(%dma_start3A_76 : memref<128xi32, #tpu.memory_space<vmem>>) semaphore(%arg17 : memref<!tpu.dma_semaphore, #tpu.memory_space<semaphore_mem>>)
      %dma_wait3A_80 = arith.constant 0 : i32
      %dma_wait3A_81 = arith.constant 0 : i32
      %dma_wait3A_82 = tpu.memref_slice %arg10[%dma_wait3A_80, %dma_wait3A_81] : memref<8x128xi32, #tpu.memory_space<vmem>> -> memref<1x128xi32, #tpu.memory_space<vmem>>
      %dma_wait3A_83 = tpu.memref_squeeze %dma_wait3A_82 : memref<1x128xi32, #tpu.memory_space<vmem>> -> memref<128xi32, #tpu.memory_space<vmem>>
      %dma_wait3A_84 = arith.constant 0 : i32
      %dma_wait3A_85 = arith.constant 0 : i32
      %dma_wait3A_86 = tpu.memref_slice %arg2[%dma_wait3A_84, %dma_wait3A_85] : memref<20000x128xf32, #tpu.memory_space<hbm>> -> memref<20000x128xf32, #tpu.memory_space<hbm>>
      tpu.wait_indirect_dma semaphore(%arg18 : memref<!tpu.dma_semaphore, #tpu.memory_space<semaphore_mem>>) src(%dma_wait3A_86 : memref<20000x128xf32, #tpu.memory_space<hbm>>) dst(%arg13 : memref<128x128xf32, #tpu.memory_space<vmem>>)
      %run_scoped3A_87 = arith.constant 3 : i32
      "tpu.region"() ({
        %run_scoped3A_146 = tpu.sem_alloc : memref<!tpu.dma_semaphore, #tpu.memory_space<semaphore_mem>>
        %dma_start3A_147 = arith.constant 0 : i32
        %dma_start3A_148 = tpu.memref_slice %arg11[%run_scoped3A_87, %dma_start3A_147] : memref<8x128xi32, #tpu.memory_space<vmem>> -> memref<1x128xi32, #tpu.memory_space<vmem>>
        %dma_start3A_149 = tpu.memref_squeeze %dma_start3A_148 : memref<1x128xi32, #tpu.memory_space<vmem>> -> memref<128xi32, #tpu.memory_space<vmem>>
        %dma_start3A_150 = arith.constant 0 : i32
        %dma_start3A_151 = arith.constant 0 : i32
        %dma_start3A_152 = tpu.memref_slice %arg15[%dma_start3A_150, %dma_start3A_151] : memref<10240x128xf32, #tpu.memory_space<vmem_shared>> -> memref<10240x128xf32, #tpu.memory_space<vmem_shared>>
        tpu.enqueue_indirect_dma source(%arg13 : memref<128x128xf32, #tpu.memory_space<vmem>>) target(%dma_start3A_152 : memref<10240x128xf32, #tpu.memory_space<vmem_shared>>) offsets(%dma_start3A_149 : memref<128xi32, #tpu.memory_space<vmem>>) semaphore(%run_scoped3A_146 : memref<!tpu.dma_semaphore, #tpu.memory_space<semaphore_mem>>) {add = true}
        %dma_wait3A_153 = arith.constant 0 : i32
        %dma_wait3A_154 = tpu.memref_slice %arg11[%run_scoped3A_87, %dma_wait3A_153] : memref<8x128xi32, #tpu.memory_space<vmem>> -> memref<1x128xi32, #tpu.memory_space<vmem>>
        %dma_wait3A_155 = tpu.memref_squeeze %dma_wait3A_154 : memref<1x128xi32, #tpu.memory_space<vmem>> -> memref<128xi32, #tpu.memory_space<vmem>>
        %dma_wait3A_156 = arith.constant 0 : i32
        %dma_wait3A_157 = arith.constant 0 : i32
        %dma_wait3A_158 = tpu.memref_slice %arg15[%dma_wait3A_156, %dma_wait3A_157] : memref<10240x128xf32, #tpu.memory_space<vmem_shared>> -> memref<10240x128xf32, #tpu.memory_space<vmem_shared>>
        tpu.wait_indirect_dma semaphore(%run_scoped3A_146 : memref<!tpu.dma_semaphore, #tpu.memory_space<semaphore_mem>>) src(%arg13 : memref<128x128xf32, #tpu.memory_space<vmem>>) dst(%dma_wait3A_158 : memref<10240x128xf32, #tpu.memory_space<vmem_shared>>)
        tpu.yield
      }) : () -> ()
      %run_scoped3A_88 = arith.constant 3 : i32
      "tpu.region"() ({
        %run_scoped3A_146 = tpu.sem_alloc : memref<!tpu.dma_semaphore, #tpu.memory_space<semaphore_mem>>
        %dma_start3A_147 = arith.constant 0 : i32
        %dma_start3A_148 = tpu.memref_slice %arg11[%run_scoped3A_88, %dma_start3A_147] : memref<8x128xi32, #tpu.memory_space<vmem>> -> memref<1x128xi32, #tpu.memory_space<vmem>>
        %dma_start3A_149 = tpu.memref_squeeze %dma_start3A_148 : memref<1x128xi32, #tpu.memory_space<vmem>> -> memref<128xi32, #tpu.memory_space<vmem>>
        %dma_start3A_150 = arith.constant 0 : i32
        %dma_start3A_151 = arith.constant 0 : i32
        %dma_start3A_152 = tpu.memref_slice %arg16[%dma_start3A_150, %dma_start3A_151] : memref<10240x16xf32, #tpu.memory_space<vmem_shared>> -> memref<10240x16xf32, #tpu.memory_space<vmem_shared>>
        tpu.enqueue_indirect_dma source(%arg14 : memref<128x16xf32, #tpu.memory_space<vmem>>) target(%dma_start3A_152 : memref<10240x16xf32, #tpu.memory_space<vmem_shared>>) offsets(%dma_start3A_149 : memref<128xi32, #tpu.memory_space<vmem>>) semaphore(%run_scoped3A_146 : memref<!tpu.dma_semaphore, #tpu.memory_space<semaphore_mem>>) {add = true}
        %dma_wait3A_153 = arith.constant 0 : i32
        %dma_wait3A_154 = tpu.memref_slice %arg11[%run_scoped3A_88, %dma_wait3A_153] : memref<8x128xi32, #tpu.memory_space<vmem>> -> memref<1x128xi32, #tpu.memory_space<vmem>>
        %dma_wait3A_155 = tpu.memref_squeeze %dma_wait3A_154 : memref<1x128xi32, #tpu.memory_space<vmem>> -> memref<128xi32, #tpu.memory_space<vmem>>
        %dma_wait3A_156 = arith.constant 0 : i32
        %dma_wait3A_157 = arith.constant 0 : i32
        %dma_wait3A_158 = tpu.memref_slice %arg16[%dma_wait3A_156, %dma_wait3A_157] : memref<10240x16xf32, #tpu.memory_space<vmem_shared>> -> memref<10240x16xf32, #tpu.memory_space<vmem_shared>>
        tpu.wait_indirect_dma semaphore(%run_scoped3A_146 : memref<!tpu.dma_semaphore, #tpu.memory_space<semaphore_mem>>) src(%arg14 : memref<128x16xf32, #tpu.memory_space<vmem>>) dst(%dma_wait3A_158 : memref<10240x16xf32, #tpu.memory_space<vmem_shared>>)
        tpu.yield
      }) : () -> ()
      %dma_start3A_89 = arith.constant 5 : i32
      %dma_start3A_90 = arith.constant 0 : i32
      %dma_start3A_91 = tpu.memref_slice %arg10[%dma_start3A_89, %dma_start3A_90] : memref<8x128xi32, #tpu.memory_space<vmem>> -> memref<1x128xi32, #tpu.memory_space<vmem>>
      %dma_start3A_92 = tpu.memref_squeeze %dma_start3A_91 : memref<1x128xi32, #tpu.memory_space<vmem>> -> memref<128xi32, #tpu.memory_space<vmem>>
      %dma_start3A_93 = arith.constant 0 : i32
      %dma_start3A_94 = arith.constant 0 : i32
      %dma_start3A_95 = tpu.memref_slice %arg2[%dma_start3A_93, %dma_start3A_94] : memref<20000x128xf32, #tpu.memory_space<hbm>> -> memref<20000x128xf32, #tpu.memory_space<hbm>>
      tpu.enqueue_indirect_dma source(%dma_start3A_95 : memref<20000x128xf32, #tpu.memory_space<hbm>>) target(%arg13 : memref<128x128xf32, #tpu.memory_space<vmem>>) offsets(%dma_start3A_92 : memref<128xi32, #tpu.memory_space<vmem>>) semaphore(%arg18 : memref<!tpu.dma_semaphore, #tpu.memory_space<semaphore_mem>>)
      %dma_wait3A_96 = arith.constant 0 : i32
      %dma_wait3A_97 = arith.constant 0 : i32
      %dma_wait3A_98 = tpu.memref_slice %arg10[%dma_wait3A_96, %dma_wait3A_97] : memref<8x128xi32, #tpu.memory_space<vmem>> -> memref<1x128xi32, #tpu.memory_space<vmem>>
      %dma_wait3A_99 = tpu.memref_squeeze %dma_wait3A_98 : memref<1x128xi32, #tpu.memory_space<vmem>> -> memref<128xi32, #tpu.memory_space<vmem>>
      %dma_wait3A_100 = arith.constant 0 : i32
      %dma_wait3A_101 = arith.constant 0 : i32
      %dma_wait3A_102 = tpu.memref_slice %arg2[%dma_wait3A_100, %dma_wait3A_101] : memref<20000x128xf32, #tpu.memory_space<hbm>> -> memref<20000x128xf32, #tpu.memory_space<hbm>>
      tpu.wait_indirect_dma semaphore(%arg17 : memref<!tpu.dma_semaphore, #tpu.memory_space<semaphore_mem>>) src(%dma_wait3A_102 : memref<20000x128xf32, #tpu.memory_space<hbm>>) dst(%arg12 : memref<128x128xf32, #tpu.memory_space<vmem>>)
      %run_scoped3A_103 = arith.constant 4 : i32
      "tpu.region"() ({
        %run_scoped3A_146 = tpu.sem_alloc : memref<!tpu.dma_semaphore, #tpu.memory_space<semaphore_mem>>
        %dma_start3A_147 = arith.constant 0 : i32
        %dma_start3A_148 = tpu.memref_slice %arg11[%run_scoped3A_103, %dma_start3A_147] : memref<8x128xi32, #tpu.memory_space<vmem>> -> memref<1x128xi32, #tpu.memory_space<vmem>>
        %dma_start3A_149 = tpu.memref_squeeze %dma_start3A_148 : memref<1x128xi32, #tpu.memory_space<vmem>> -> memref<128xi32, #tpu.memory_space<vmem>>
        %dma_start3A_150 = arith.constant 0 : i32
        %dma_start3A_151 = arith.constant 0 : i32
        %dma_start3A_152 = tpu.memref_slice %arg15[%dma_start3A_150, %dma_start3A_151] : memref<10240x128xf32, #tpu.memory_space<vmem_shared>> -> memref<10240x128xf32, #tpu.memory_space<vmem_shared>>
        tpu.enqueue_indirect_dma source(%arg12 : memref<128x128xf32, #tpu.memory_space<vmem>>) target(%dma_start3A_152 : memref<10240x128xf32, #tpu.memory_space<vmem_shared>>) offsets(%dma_start3A_149 : memref<128xi32, #tpu.memory_space<vmem>>) semaphore(%run_scoped3A_146 : memref<!tpu.dma_semaphore, #tpu.memory_space<semaphore_mem>>) {add = true}
        %dma_wait3A_153 = arith.constant 0 : i32
        %dma_wait3A_154 = tpu.memref_slice %arg11[%run_scoped3A_103, %dma_wait3A_153] : memref<8x128xi32, #tpu.memory_space<vmem>> -> memref<1x128xi32, #tpu.memory_space<vmem>>
        %dma_wait3A_155 = tpu.memref_squeeze %dma_wait3A_154 : memref<1x128xi32, #tpu.memory_space<vmem>> -> memref<128xi32, #tpu.memory_space<vmem>>
        %dma_wait3A_156 = arith.constant 0 : i32
        %dma_wait3A_157 = arith.constant 0 : i32
        %dma_wait3A_158 = tpu.memref_slice %arg15[%dma_wait3A_156, %dma_wait3A_157] : memref<10240x128xf32, #tpu.memory_space<vmem_shared>> -> memref<10240x128xf32, #tpu.memory_space<vmem_shared>>
        tpu.wait_indirect_dma semaphore(%run_scoped3A_146 : memref<!tpu.dma_semaphore, #tpu.memory_space<semaphore_mem>>) src(%arg12 : memref<128x128xf32, #tpu.memory_space<vmem>>) dst(%dma_wait3A_158 : memref<10240x128xf32, #tpu.memory_space<vmem_shared>>)
        tpu.yield
      }) : () -> ()
      %run_scoped3A_104 = arith.constant 4 : i32
      "tpu.region"() ({
        %run_scoped3A_146 = tpu.sem_alloc : memref<!tpu.dma_semaphore, #tpu.memory_space<semaphore_mem>>
        %dma_start3A_147 = arith.constant 0 : i32
        %dma_start3A_148 = tpu.memref_slice %arg11[%run_scoped3A_104, %dma_start3A_147] : memref<8x128xi32, #tpu.memory_space<vmem>> -> memref<1x128xi32, #tpu.memory_space<vmem>>
        %dma_start3A_149 = tpu.memref_squeeze %dma_start3A_148 : memref<1x128xi32, #tpu.memory_space<vmem>> -> memref<128xi32, #tpu.memory_space<vmem>>
        %dma_start3A_150 = arith.constant 0 : i32
        %dma_start3A_151 = arith.constant 0 : i32
        %dma_start3A_152 = tpu.memref_slice %arg16[%dma_start3A_150, %dma_start3A_151] : memref<10240x16xf32, #tpu.memory_space<vmem_shared>> -> memref<10240x16xf32, #tpu.memory_space<vmem_shared>>
        tpu.enqueue_indirect_dma source(%arg14 : memref<128x16xf32, #tpu.memory_space<vmem>>) target(%dma_start3A_152 : memref<10240x16xf32, #tpu.memory_space<vmem_shared>>) offsets(%dma_start3A_149 : memref<128xi32, #tpu.memory_space<vmem>>) semaphore(%run_scoped3A_146 : memref<!tpu.dma_semaphore, #tpu.memory_space<semaphore_mem>>) {add = true}
        %dma_wait3A_153 = arith.constant 0 : i32
        %dma_wait3A_154 = tpu.memref_slice %arg11[%run_scoped3A_104, %dma_wait3A_153] : memref<8x128xi32, #tpu.memory_space<vmem>> -> memref<1x128xi32, #tpu.memory_space<vmem>>
        %dma_wait3A_155 = tpu.memref_squeeze %dma_wait3A_154 : memref<1x128xi32, #tpu.memory_space<vmem>> -> memref<128xi32, #tpu.memory_space<vmem>>
        %dma_wait3A_156 = arith.constant 0 : i32
        %dma_wait3A_157 = arith.constant 0 : i32
        %dma_wait3A_158 = tpu.memref_slice %arg16[%dma_wait3A_156, %dma_wait3A_157] : memref<10240x16xf32, #tpu.memory_space<vmem_shared>> -> memref<10240x16xf32, #tpu.memory_space<vmem_shared>>
        tpu.wait_indirect_dma semaphore(%run_scoped3A_146 : memref<!tpu.dma_semaphore, #tpu.memory_space<semaphore_mem>>) src(%arg14 : memref<128x16xf32, #tpu.memory_space<vmem>>) dst(%dma_wait3A_158 : memref<10240x16xf32, #tpu.memory_space<vmem_shared>>)
        tpu.yield
      }) : () -> ()
      %dma_start3A_105 = arith.constant 6 : i32
      %dma_start3A_106 = arith.constant 0 : i32
      %dma_start3A_107 = tpu.memref_slice %arg10[%dma_start3A_105, %dma_start3A_106] : memref<8x128xi32, #tpu.memory_space<vmem>> -> memref<1x128xi32, #tpu.memory_space<vmem>>
      %dma_start3A_108 = tpu.memref_squeeze %dma_start3A_107 : memref<1x128xi32, #tpu.memory_space<vmem>> -> memref<128xi32, #tpu.memory_space<vmem>>
      %dma_start3A_109 = arith.constant 0 : i32
      %dma_start3A_110 = arith.constant 0 : i32
      %dma_start3A_111 = tpu.memref_slice %arg2[%dma_start3A_109, %dma_start3A_110] : memref<20000x128xf32, #tpu.memory_space<hbm>> -> memref<20000x128xf32, #tpu.memory_space<hbm>>
      tpu.enqueue_indirect_dma source(%dma_start3A_111 : memref<20000x128xf32, #tpu.memory_space<hbm>>) target(%arg12 : memref<128x128xf32, #tpu.memory_space<vmem>>) offsets(%dma_start3A_108 : memref<128xi32, #tpu.memory_space<vmem>>) semaphore(%arg17 : memref<!tpu.dma_semaphore, #tpu.memory_space<semaphore_mem>>)
      %dma_wait3A_112 = arith.constant 0 : i32
      %dma_wait3A_113 = arith.constant 0 : i32
      %dma_wait3A_114 = tpu.memref_slice %arg10[%dma_wait3A_112, %dma_wait3A_113] : memref<8x128xi32, #tpu.memory_space<vmem>> -> memref<1x128xi32, #tpu.memory_space<vmem>>
      %dma_wait3A_115 = tpu.memref_squeeze %dma_wait3A_114 : memref<1x128xi32, #tpu.memory_space<vmem>> -> memref<128xi32, #tpu.memory_space<vmem>>
      %dma_wait3A_116 = arith.constant 0 : i32
      %dma_wait3A_117 = arith.constant 0 : i32
      %dma_wait3A_118 = tpu.memref_slice %arg2[%dma_wait3A_116, %dma_wait3A_117] : memref<20000x128xf32, #tpu.memory_space<hbm>> -> memref<20000x128xf32, #tpu.memory_space<hbm>>
      tpu.wait_indirect_dma semaphore(%arg18 : memref<!tpu.dma_semaphore, #tpu.memory_space<semaphore_mem>>) src(%dma_wait3A_118 : memref<20000x128xf32, #tpu.memory_space<hbm>>) dst(%arg13 : memref<128x128xf32, #tpu.memory_space<vmem>>)
      %run_scoped3A_119 = arith.constant 5 : i32
      "tpu.region"() ({
        %run_scoped3A_146 = tpu.sem_alloc : memref<!tpu.dma_semaphore, #tpu.memory_space<semaphore_mem>>
        %dma_start3A_147 = arith.constant 0 : i32
        %dma_start3A_148 = tpu.memref_slice %arg11[%run_scoped3A_119, %dma_start3A_147] : memref<8x128xi32, #tpu.memory_space<vmem>> -> memref<1x128xi32, #tpu.memory_space<vmem>>
        %dma_start3A_149 = tpu.memref_squeeze %dma_start3A_148 : memref<1x128xi32, #tpu.memory_space<vmem>> -> memref<128xi32, #tpu.memory_space<vmem>>
        %dma_start3A_150 = arith.constant 0 : i32
        %dma_start3A_151 = arith.constant 0 : i32
        %dma_start3A_152 = tpu.memref_slice %arg15[%dma_start3A_150, %dma_start3A_151] : memref<10240x128xf32, #tpu.memory_space<vmem_shared>> -> memref<10240x128xf32, #tpu.memory_space<vmem_shared>>
        tpu.enqueue_indirect_dma source(%arg13 : memref<128x128xf32, #tpu.memory_space<vmem>>) target(%dma_start3A_152 : memref<10240x128xf32, #tpu.memory_space<vmem_shared>>) offsets(%dma_start3A_149 : memref<128xi32, #tpu.memory_space<vmem>>) semaphore(%run_scoped3A_146 : memref<!tpu.dma_semaphore, #tpu.memory_space<semaphore_mem>>) {add = true}
        %dma_wait3A_153 = arith.constant 0 : i32
        %dma_wait3A_154 = tpu.memref_slice %arg11[%run_scoped3A_119, %dma_wait3A_153] : memref<8x128xi32, #tpu.memory_space<vmem>> -> memref<1x128xi32, #tpu.memory_space<vmem>>
        %dma_wait3A_155 = tpu.memref_squeeze %dma_wait3A_154 : memref<1x128xi32, #tpu.memory_space<vmem>> -> memref<128xi32, #tpu.memory_space<vmem>>
        %dma_wait3A_156 = arith.constant 0 : i32
        %dma_wait3A_157 = arith.constant 0 : i32
        %dma_wait3A_158 = tpu.memref_slice %arg15[%dma_wait3A_156, %dma_wait3A_157] : memref<10240x128xf32, #tpu.memory_space<vmem_shared>> -> memref<10240x128xf32, #tpu.memory_space<vmem_shared>>
        tpu.wait_indirect_dma semaphore(%run_scoped3A_146 : memref<!tpu.dma_semaphore, #tpu.memory_space<semaphore_mem>>) src(%arg13 : memref<128x128xf32, #tpu.memory_space<vmem>>) dst(%dma_wait3A_158 : memref<10240x128xf32, #tpu.memory_space<vmem_shared>>)
        tpu.yield
      }) : () -> ()
      %run_scoped3A_120 = arith.constant 5 : i32
      "tpu.region"() ({
        %run_scoped3A_146 = tpu.sem_alloc : memref<!tpu.dma_semaphore, #tpu.memory_space<semaphore_mem>>
        %dma_start3A_147 = arith.constant 0 : i32
        %dma_start3A_148 = tpu.memref_slice %arg11[%run_scoped3A_120, %dma_start3A_147] : memref<8x128xi32, #tpu.memory_space<vmem>> -> memref<1x128xi32, #tpu.memory_space<vmem>>
        %dma_start3A_149 = tpu.memref_squeeze %dma_start3A_148 : memref<1x128xi32, #tpu.memory_space<vmem>> -> memref<128xi32, #tpu.memory_space<vmem>>
        %dma_start3A_150 = arith.constant 0 : i32
        %dma_start3A_151 = arith.constant 0 : i32
        %dma_start3A_152 = tpu.memref_slice %arg16[%dma_start3A_150, %dma_start3A_151] : memref<10240x16xf32, #tpu.memory_space<vmem_shared>> -> memref<10240x16xf32, #tpu.memory_space<vmem_shared>>
        tpu.enqueue_indirect_dma source(%arg14 : memref<128x16xf32, #tpu.memory_space<vmem>>) target(%dma_start3A_152 : memref<10240x16xf32, #tpu.memory_space<vmem_shared>>) offsets(%dma_start3A_149 : memref<128xi32, #tpu.memory_space<vmem>>) semaphore(%run_scoped3A_146 : memref<!tpu.dma_semaphore, #tpu.memory_space<semaphore_mem>>) {add = true}
        %dma_wait3A_153 = arith.constant 0 : i32
        %dma_wait3A_154 = tpu.memref_slice %arg11[%run_scoped3A_120, %dma_wait3A_153] : memref<8x128xi32, #tpu.memory_space<vmem>> -> memref<1x128xi32, #tpu.memory_space<vmem>>
        %dma_wait3A_155 = tpu.memref_squeeze %dma_wait3A_154 : memref<1x128xi32, #tpu.memory_space<vmem>> -> memref<128xi32, #tpu.memory_space<vmem>>
        %dma_wait3A_156 = arith.constant 0 : i32
        %dma_wait3A_157 = arith.constant 0 : i32
        %dma_wait3A_158 = tpu.memref_slice %arg16[%dma_wait3A_156, %dma_wait3A_157] : memref<10240x16xf32, #tpu.memory_space<vmem_shared>> -> memref<10240x16xf32, #tpu.memory_space<vmem_shared>>
        tpu.wait_indirect_dma semaphore(%run_scoped3A_146 : memref<!tpu.dma_semaphore, #tpu.memory_space<semaphore_mem>>) src(%arg14 : memref<128x16xf32, #tpu.memory_space<vmem>>) dst(%dma_wait3A_158 : memref<10240x16xf32, #tpu.memory_space<vmem_shared>>)
        tpu.yield
      }) : () -> ()
      %dma_start3A_121 = arith.constant 7 : i32
      %dma_start3A_122 = arith.constant 0 : i32
      %dma_start3A_123 = tpu.memref_slice %arg10[%dma_start3A_121, %dma_start3A_122] : memref<8x128xi32, #tpu.memory_space<vmem>> -> memref<1x128xi32, #tpu.memory_space<vmem>>
      %dma_start3A_124 = tpu.memref_squeeze %dma_start3A_123 : memref<1x128xi32, #tpu.memory_space<vmem>> -> memref<128xi32, #tpu.memory_space<vmem>>
      %dma_start3A_125 = arith.constant 0 : i32
      %dma_start3A_126 = arith.constant 0 : i32
      %dma_start3A_127 = tpu.memref_slice %arg2[%dma_start3A_125, %dma_start3A_126] : memref<20000x128xf32, #tpu.memory_space<hbm>> -> memref<20000x128xf32, #tpu.memory_space<hbm>>
      tpu.enqueue_indirect_dma source(%dma_start3A_127 : memref<20000x128xf32, #tpu.memory_space<hbm>>) target(%arg13 : memref<128x128xf32, #tpu.memory_space<vmem>>) offsets(%dma_start3A_124 : memref<128xi32, #tpu.memory_space<vmem>>) semaphore(%arg18 : memref<!tpu.dma_semaphore, #tpu.memory_space<semaphore_mem>>)
      %dma_wait3A_128 = arith.constant 0 : i32
      %dma_wait3A_129 = arith.constant 0 : i32
      %dma_wait3A_130 = tpu.memref_slice %arg10[%dma_wait3A_128, %dma_wait3A_129] : memref<8x128xi32, #tpu.memory_space<vmem>> -> memref<1x128xi32, #tpu.memory_space<vmem>>
      %dma_wait3A_131 = tpu.memref_squeeze %dma_wait3A_130 : memref<1x128xi32, #tpu.memory_space<vmem>> -> memref<128xi32, #tpu.memory_space<vmem>>
      %dma_wait3A_132 = arith.constant 0 : i32
      %dma_wait3A_133 = arith.constant 0 : i32
      %dma_wait3A_134 = tpu.memref_slice %arg2[%dma_wait3A_132, %dma_wait3A_133] : memref<20000x128xf32, #tpu.memory_space<hbm>> -> memref<20000x128xf32, #tpu.memory_space<hbm>>
      tpu.wait_indirect_dma semaphore(%arg17 : memref<!tpu.dma_semaphore, #tpu.memory_space<semaphore_mem>>) src(%dma_wait3A_134 : memref<20000x128xf32, #tpu.memory_space<hbm>>) dst(%arg12 : memref<128x128xf32, #tpu.memory_space<vmem>>)
      %run_scoped3A_135 = arith.constant 6 : i32
      "tpu.region"() ({
        %run_scoped3A_146 = tpu.sem_alloc : memref<!tpu.dma_semaphore, #tpu.memory_space<semaphore_mem>>
        %dma_start3A_147 = arith.constant 0 : i32
        %dma_start3A_148 = tpu.memref_slice %arg11[%run_scoped3A_135, %dma_start3A_147] : memref<8x128xi32, #tpu.memory_space<vmem>> -> memref<1x128xi32, #tpu.memory_space<vmem>>
        %dma_start3A_149 = tpu.memref_squeeze %dma_start3A_148 : memref<1x128xi32, #tpu.memory_space<vmem>> -> memref<128xi32, #tpu.memory_space<vmem>>
        %dma_start3A_150 = arith.constant 0 : i32
        %dma_start3A_151 = arith.constant 0 : i32
        %dma_start3A_152 = tpu.memref_slice %arg15[%dma_start3A_150, %dma_start3A_151] : memref<10240x128xf32, #tpu.memory_space<vmem_shared>> -> memref<10240x128xf32, #tpu.memory_space<vmem_shared>>
        tpu.enqueue_indirect_dma source(%arg12 : memref<128x128xf32, #tpu.memory_space<vmem>>) target(%dma_start3A_152 : memref<10240x128xf32, #tpu.memory_space<vmem_shared>>) offsets(%dma_start3A_149 : memref<128xi32, #tpu.memory_space<vmem>>) semaphore(%run_scoped3A_146 : memref<!tpu.dma_semaphore, #tpu.memory_space<semaphore_mem>>) {add = true}
        %dma_wait3A_153 = arith.constant 0 : i32
        %dma_wait3A_154 = tpu.memref_slice %arg11[%run_scoped3A_135, %dma_wait3A_153] : memref<8x128xi32, #tpu.memory_space<vmem>> -> memref<1x128xi32, #tpu.memory_space<vmem>>
        %dma_wait3A_155 = tpu.memref_squeeze %dma_wait3A_154 : memref<1x128xi32, #tpu.memory_space<vmem>> -> memref<128xi32, #tpu.memory_space<vmem>>
        %dma_wait3A_156 = arith.constant 0 : i32
        %dma_wait3A_157 = arith.constant 0 : i32
        %dma_wait3A_158 = tpu.memref_slice %arg15[%dma_wait3A_156, %dma_wait3A_157] : memref<10240x128xf32, #tpu.memory_space<vmem_shared>> -> memref<10240x128xf32, #tpu.memory_space<vmem_shared>>
        tpu.wait_indirect_dma semaphore(%run_scoped3A_146 : memref<!tpu.dma_semaphore, #tpu.memory_space<semaphore_mem>>) src(%arg12 : memref<128x128xf32, #tpu.memory_space<vmem>>) dst(%dma_wait3A_158 : memref<10240x128xf32, #tpu.memory_space<vmem_shared>>)
        tpu.yield
      }) : () -> ()
      %run_scoped3A_136 = arith.constant 6 : i32
      "tpu.region"() ({
        %run_scoped3A_146 = tpu.sem_alloc : memref<!tpu.dma_semaphore, #tpu.memory_space<semaphore_mem>>
        %dma_start3A_147 = arith.constant 0 : i32
        %dma_start3A_148 = tpu.memref_slice %arg11[%run_scoped3A_136, %dma_start3A_147] : memref<8x128xi32, #tpu.memory_space<vmem>> -> memref<1x128xi32, #tpu.memory_space<vmem>>
        %dma_start3A_149 = tpu.memref_squeeze %dma_start3A_148 : memref<1x128xi32, #tpu.memory_space<vmem>> -> memref<128xi32, #tpu.memory_space<vmem>>
        %dma_start3A_150 = arith.constant 0 : i32
        %dma_start3A_151 = arith.constant 0 : i32
        %dma_start3A_152 = tpu.memref_slice %arg16[%dma_start3A_150, %dma_start3A_151] : memref<10240x16xf32, #tpu.memory_space<vmem_shared>> -> memref<10240x16xf32, #tpu.memory_space<vmem_shared>>
        tpu.enqueue_indirect_dma source(%arg14 : memref<128x16xf32, #tpu.memory_space<vmem>>) target(%dma_start3A_152 : memref<10240x16xf32, #tpu.memory_space<vmem_shared>>) offsets(%dma_start3A_149 : memref<128xi32, #tpu.memory_space<vmem>>) semaphore(%run_scoped3A_146 : memref<!tpu.dma_semaphore, #tpu.memory_space<semaphore_mem>>) {add = true}
        %dma_wait3A_153 = arith.constant 0 : i32
        %dma_wait3A_154 = tpu.memref_slice %arg11[%run_scoped3A_136, %dma_wait3A_153] : memref<8x128xi32, #tpu.memory_space<vmem>> -> memref<1x128xi32, #tpu.memory_space<vmem>>
        %dma_wait3A_155 = tpu.memref_squeeze %dma_wait3A_154 : memref<1x128xi32, #tpu.memory_space<vmem>> -> memref<128xi32, #tpu.memory_space<vmem>>
        %dma_wait3A_156 = arith.constant 0 : i32
        %dma_wait3A_157 = arith.constant 0 : i32
        %dma_wait3A_158 = tpu.memref_slice %arg16[%dma_wait3A_156, %dma_wait3A_157] : memref<10240x16xf32, #tpu.memory_space<vmem_shared>> -> memref<10240x16xf32, #tpu.memory_space<vmem_shared>>
        tpu.wait_indirect_dma semaphore(%run_scoped3A_146 : memref<!tpu.dma_semaphore, #tpu.memory_space<semaphore_mem>>) src(%arg14 : memref<128x16xf32, #tpu.memory_space<vmem>>) dst(%dma_wait3A_158 : memref<10240x16xf32, #tpu.memory_space<vmem_shared>>)
        tpu.yield
      }) : () -> ()
      %dma_wait3A_137 = arith.constant 0 : i32
      %dma_wait3A_138 = arith.constant 0 : i32
      %dma_wait3A_139 = tpu.memref_slice %arg10[%dma_wait3A_137, %dma_wait3A_138] : memref<8x128xi32, #tpu.memory_space<vmem>> -> memref<1x128xi32, #tpu.memory_space<vmem>>
      %dma_wait3A_140 = tpu.memref_squeeze %dma_wait3A_139 : memref<1x128xi32, #tpu.memory_space<vmem>> -> memref<128xi32, #tpu.memory_space<vmem>>
      %dma_wait3A_141 = arith.constant 0 : i32
      %dma_wait3A_142 = arith.constant 0 : i32
      %dma_wait3A_143 = tpu.memref_slice %arg2[%dma_wait3A_141, %dma_wait3A_142] : memref<20000x128xf32, #tpu.memory_space<hbm>> -> memref<20000x128xf32, #tpu.memory_space<hbm>>
      tpu.wait_indirect_dma semaphore(%arg18 : memref<!tpu.dma_semaphore, #tpu.memory_space<semaphore_mem>>) src(%dma_wait3A_143 : memref<20000x128xf32, #tpu.memory_space<hbm>>) dst(%arg13 : memref<128x128xf32, #tpu.memory_space<vmem>>)
      %run_scoped3A_144 = arith.constant 7 : i32
      "tpu.region"() ({
        %run_scoped3A_146 = tpu.sem_alloc : memref<!tpu.dma_semaphore, #tpu.memory_space<semaphore_mem>>
        %dma_start3A_147 = arith.constant 0 : i32
        %dma_start3A_148 = tpu.memref_slice %arg11[%run_scoped3A_144, %dma_start3A_147] : memref<8x128xi32, #tpu.memory_space<vmem>> -> memref<1x128xi32, #tpu.memory_space<vmem>>
        %dma_start3A_149 = tpu.memref_squeeze %dma_start3A_148 : memref<1x128xi32, #tpu.memory_space<vmem>> -> memref<128xi32, #tpu.memory_space<vmem>>
        %dma_start3A_150 = arith.constant 0 : i32
        %dma_start3A_151 = arith.constant 0 : i32
        %dma_start3A_152 = tpu.memref_slice %arg15[%dma_start3A_150, %dma_start3A_151] : memref<10240x128xf32, #tpu.memory_space<vmem_shared>> -> memref<10240x128xf32, #tpu.memory_space<vmem_shared>>
        tpu.enqueue_indirect_dma source(%arg13 : memref<128x128xf32, #tpu.memory_space<vmem>>) target(%dma_start3A_152 : memref<10240x128xf32, #tpu.memory_space<vmem_shared>>) offsets(%dma_start3A_149 : memref<128xi32, #tpu.memory_space<vmem>>) semaphore(%run_scoped3A_146 : memref<!tpu.dma_semaphore, #tpu.memory_space<semaphore_mem>>) {add = true}
        %dma_wait3A_153 = arith.constant 0 : i32
        %dma_wait3A_154 = tpu.memref_slice %arg11[%run_scoped3A_144, %dma_wait3A_153] : memref<8x128xi32, #tpu.memory_space<vmem>> -> memref<1x128xi32, #tpu.memory_space<vmem>>
        %dma_wait3A_155 = tpu.memref_squeeze %dma_wait3A_154 : memref<1x128xi32, #tpu.memory_space<vmem>> -> memref<128xi32, #tpu.memory_space<vmem>>
        %dma_wait3A_156 = arith.constant 0 : i32
        %dma_wait3A_157 = arith.constant 0 : i32
        %dma_wait3A_158 = tpu.memref_slice %arg15[%dma_wait3A_156, %dma_wait3A_157] : memref<10240x128xf32, #tpu.memory_space<vmem_shared>> -> memref<10240x128xf32, #tpu.memory_space<vmem_shared>>
        tpu.wait_indirect_dma semaphore(%run_scoped3A_146 : memref<!tpu.dma_semaphore, #tpu.memory_space<semaphore_mem>>) src(%arg13 : memref<128x128xf32, #tpu.memory_space<vmem>>) dst(%dma_wait3A_158 : memref<10240x128xf32, #tpu.memory_space<vmem_shared>>)
        tpu.yield
      }) : () -> ()
      %run_scoped3A_145 = arith.constant 7 : i32
      "tpu.region"() ({
        %run_scoped3A_146 = tpu.sem_alloc : memref<!tpu.dma_semaphore, #tpu.memory_space<semaphore_mem>>
        %dma_start3A_147 = arith.constant 0 : i32
        %dma_start3A_148 = tpu.memref_slice %arg11[%run_scoped3A_145, %dma_start3A_147] : memref<8x128xi32, #tpu.memory_space<vmem>> -> memref<1x128xi32, #tpu.memory_space<vmem>>
        %dma_start3A_149 = tpu.memref_squeeze %dma_start3A_148 : memref<1x128xi32, #tpu.memory_space<vmem>> -> memref<128xi32, #tpu.memory_space<vmem>>
        %dma_start3A_150 = arith.constant 0 : i32
        %dma_start3A_151 = arith.constant 0 : i32
        %dma_start3A_152 = tpu.memref_slice %arg16[%dma_start3A_150, %dma_start3A_151] : memref<10240x16xf32, #tpu.memory_space<vmem_shared>> -> memref<10240x16xf32, #tpu.memory_space<vmem_shared>>
        tpu.enqueue_indirect_dma source(%arg14 : memref<128x16xf32, #tpu.memory_space<vmem>>) target(%dma_start3A_152 : memref<10240x16xf32, #tpu.memory_space<vmem_shared>>) offsets(%dma_start3A_149 : memref<128xi32, #tpu.memory_space<vmem>>) semaphore(%run_scoped3A_146 : memref<!tpu.dma_semaphore, #tpu.memory_space<semaphore_mem>>) {add = true}
        %dma_wait3A_153 = arith.constant 0 : i32
        %dma_wait3A_154 = tpu.memref_slice %arg11[%run_scoped3A_145, %dma_wait3A_153] : memref<8x128xi32, #tpu.memory_space<vmem>> -> memref<1x128xi32, #tpu.memory_space<vmem>>
        %dma_wait3A_155 = tpu.memref_squeeze %dma_wait3A_154 : memref<1x128xi32, #tpu.memory_space<vmem>> -> memref<128xi32, #tpu.memory_space<vmem>>
        %dma_wait3A_156 = arith.constant 0 : i32
        %dma_wait3A_157 = arith.constant 0 : i32
        %dma_wait3A_158 = tpu.memref_slice %arg16[%dma_wait3A_156, %dma_wait3A_157] : memref<10240x16xf32, #tpu.memory_space<vmem_shared>> -> memref<10240x16xf32, #tpu.memory_space<vmem_shared>>
        tpu.wait_indirect_dma semaphore(%run_scoped3A_146 : memref<!tpu.dma_semaphore, #tpu.memory_space<semaphore_mem>>) src(%arg14 : memref<128x16xf32, #tpu.memory_space<vmem>>) dst(%dma_wait3A_158 : memref<10240x16xf32, #tpu.memory_space<vmem_shared>>)
        tpu.yield
      }) : () -> ()
    }
    %scan3A_7 = arith.constant 10 : i32
    %barrier3A_8 = arith.constant 0 : index
    tpu.barrier barrier_id(%barrier3A_8)
    %mul3A_9 = arith.constant 640 : i32
    %mul3A_10 = arith.muli %arg1, %mul3A_9 : i32
    %mul3A_11 = arith.constant 10240 : i32
    %mul3A_12 = arith.muli %arg0, %mul3A_11 : i32
    %add3A = arith.addi %mul3A_12, %mul3A_10 : i32
    "tpu.region"() ({
      %run_scoped3A = tpu.sem_alloc : memref<!tpu.dma_semaphore, #tpu.memory_space<semaphore_mem>>
      %dma_start3A = arith.constant 0 : i32
      %dma_start3A_16 = tpu.memref_slice %arg8[%add3A, %dma_start3A] : memref<20480x128xf32, #tpu.memory_space<hbm>> -> memref<640x128xf32, #tpu.memory_space<hbm>>
      %dma_start3A_17 = arith.constant 0 : i32
      %dma_start3A_18 = tpu.memref_slice %arg15[%mul3A_10, %dma_start3A_17] : memref<10240x128xf32, #tpu.memory_space<vmem_shared>> -> memref<640x128xf32, #tpu.memory_space<vmem_shared>>
      tpu.enqueue_dma source(%dma_start3A_18 : memref<640x128xf32, #tpu.memory_space<vmem_shared>>) target(%dma_start3A_16 : memref<640x128xf32, #tpu.memory_space<hbm>>) target_semaphore(%run_scoped3A : memref<!tpu.dma_semaphore, #tpu.memory_space<semaphore_mem>>)
      %dma_wait3A = arith.constant 0 : i32
      %dma_wait3A_19 = tpu.memref_slice %arg8[%add3A, %dma_wait3A] : memref<20480x128xf32, #tpu.memory_space<hbm>> -> memref<640x128xf32, #tpu.memory_space<hbm>>
      %dma_wait3A_20 = arith.constant 0 : i32
      %dma_wait3A_21 = tpu.memref_slice %arg15[%mul3A_10, %dma_wait3A_20] : memref<10240x128xf32, #tpu.memory_space<vmem_shared>> -> memref<640x128xf32, #tpu.memory_space<vmem_shared>>
      tpu.wait_dma2 semaphore(%run_scoped3A : memref<!tpu.dma_semaphore, #tpu.memory_space<semaphore_mem>>) src(%dma_wait3A_21 : memref<640x128xf32, #tpu.memory_space<vmem_shared>>) dst(%dma_wait3A_19 : memref<640x128xf32, #tpu.memory_space<hbm>>)
      tpu.yield
    }) : () -> ()
    %mul3A_13 = arith.constant 10240 : i32
    %mul3A_14 = arith.muli %arg0, %mul3A_13 : i32
    %add3A_15 = arith.addi %mul3A_14, %mul3A_10 : i32
    "tpu.region"() ({
      %run_scoped3A = tpu.sem_alloc : memref<!tpu.dma_semaphore, #tpu.memory_space<semaphore_mem>>
      %dma_start3A = arith.constant 0 : i32
      %dma_start3A_16 = tpu.memref_slice %arg9[%add3A_15, %dma_start3A] : memref<20480x16xf32, #tpu.memory_space<hbm>> -> memref<640x16xf32, #tpu.memory_space<hbm>>
      %dma_start3A_17 = arith.constant 0 : i32
      %dma_start3A_18 = tpu.memref_slice %arg16[%mul3A_10, %dma_start3A_17] : memref<10240x16xf32, #tpu.memory_space<vmem_shared>> -> memref<640x16xf32, #tpu.memory_space<vmem_shared>>
      tpu.enqueue_dma source(%dma_start3A_18 : memref<640x16xf32, #tpu.memory_space<vmem_shared>>) target(%dma_start3A_16 : memref<640x16xf32, #tpu.memory_space<hbm>>) target_semaphore(%run_scoped3A : memref<!tpu.dma_semaphore, #tpu.memory_space<semaphore_mem>>)
      %dma_wait3A = arith.constant 0 : i32
      %dma_wait3A_19 = tpu.memref_slice %arg9[%add3A_15, %dma_wait3A] : memref<20480x16xf32, #tpu.memory_space<hbm>> -> memref<640x16xf32, #tpu.memory_space<hbm>>
      %dma_wait3A_20 = arith.constant 0 : i32
      %dma_wait3A_21 = tpu.memref_slice %arg16[%mul3A_10, %dma_wait3A_20] : memref<10240x16xf32, #tpu.memory_space<vmem_shared>> -> memref<640x16xf32, #tpu.memory_space<vmem_shared>>
      tpu.wait_dma2 semaphore(%run_scoped3A : memref<!tpu.dma_semaphore, #tpu.memory_space<semaphore_mem>>) src(%dma_wait3A_21 : memref<640x16xf32, #tpu.memory_space<vmem_shared>>) dst(%dma_wait3A_19 : memref<640x16xf32, #tpu.memory_space<hbm>>)
      tpu.yield
    }) : () -> ()
    return
  }
}

module attributes {stable_mosaic.version = 14 : i64} {
  func.func @_tc_body(%arg0: i32, %arg1: memref<80x128xf32, #tpu.memory_space<vmem>>, %arg2: memref<80x128xf32, #tpu.memory_space<vmem>>, %arg3: memref<80x16xf32, #tpu.memory_space<vmem>>, %arg4: memref<80x256xf32, #tpu.memory_space<vmem>>, %arg5: memref<256x256xf32, #tpu.memory_space<vmem>>, %arg6: memref<256x256xf32, #tpu.memory_space<vmem>>, %arg7: memref<1x256xf32, #tpu.memory_space<vmem>>, %arg8: memref<80x256xf32, #tpu.memory_space<vmem>>) attributes {dimension_semantics = [#tpu.dimension_semantics<arbitrary>], iteration_bounds = array<i64: 125>, scalar_prefetch = 0 : i64, scratch_operands = 0 : i64, tpu.core_type = #tpu.core_type<tc>, window_params = [{transform_indices = @transform_0, window_bounds = array<i64: 80, 128>}, {transform_indices = @transform_1, window_bounds = array<i64: 80, 128>}, {transform_indices = @transform_2, window_bounds = array<i64: 80, 16>}, {transform_indices = @transform_3, window_bounds = array<i64: 80, 256>}, {pipeline_mode = #tpu.pipeline_mode<synchronous>, transform_indices = @transform_4, window_bounds = array<i64: 256, 256>}, {pipeline_mode = #tpu.pipeline_mode<synchronous>, transform_indices = @transform_5, window_bounds = array<i64: 256, 256>}, {pipeline_mode = #tpu.pipeline_mode<synchronous>, transform_indices = @transform_6, window_bounds = array<i64: 1, 256>}, {transform_indices = @transform_7, window_bounds = array<i64: 80, 256>}]} {
    %get3A = arith.constant 0 : index
    %get3A_0 = arith.constant 0 : index
    %get3A_1 = vector.load %arg3[%get3A, %get3A_0] : memref<80x16xf32, #tpu.memory_space<vmem>>, vector<80x1xf32>
    %max3A = arith.constant 1.000000e+00 : f32
    %max3A_2 = vector.broadcast %max3A : f32 to vector<80x1xf32>
    %max3A_3 = arith.maximumf %get3A_1, %max3A_2 : vector<80x1xf32>
    %div3A = arith.constant 1.000000e+00 : f32
    %div3A_4 = vector.broadcast %div3A : f32 to vector<80x1xf32>
    %div3A_5 = arith.divf %div3A_4, %max3A_3 : vector<80x1xf32>
    %get3A_6 = arith.constant 0 : index
    %get3A_7 = arith.constant 0 : index
    %get3A_8 = vector.load %arg1[%get3A_6, %get3A_7] : memref<80x128xf32, #tpu.memory_space<vmem>>, vector<80x128xf32>
    %get3A_9 = arith.constant 0 : index
    %get3A_10 = arith.constant 0 : index
    %get3A_11 = vector.load %arg2[%get3A_9, %get3A_10] : memref<80x128xf32, #tpu.memory_space<vmem>>, vector<80x128xf32>
    %concatenate3A = tpu.concatenate %get3A_8, %get3A_11 in 1 : vector<80x128xf32>, vector<80x128xf32> -> vector<80x256xf32>
    %mul3A = vector.broadcast %div3A_5 : vector<80x1xf32> to vector<80x256xf32>
    %mul3A_12 = arith.mulf %concatenate3A, %mul3A : vector<80x256xf32>
    %get3A_13 = arith.constant 0 : index
    %get3A_14 = arith.constant 0 : index
    %get3A_15 = vector.load %arg5[%get3A_13, %get3A_14] : memref<256x256xf32, #tpu.memory_space<vmem>>, vector<256x256xf32>
    %dot_general3A = arith.constant dense<0.000000e+00> : vector<80x256xf32>
    %dot_general3A_16 = tpu.matmul %mul3A_12, %get3A_15, %dot_general3A {dimension_numbers = #tpu.dot_dimension_numbers<[1], [0], [0], [1], [0, 0, 1, 1], [], []>, transpose_lhs_hint = false} : vector<80x256xf32>, vector<256x256xf32>, vector<80x256xf32> -> vector<80x256xf32>
    %get3A_17 = arith.constant 0 : index
    %get3A_18 = arith.constant 0 : index
    %get3A_19 = vector.load %arg4[%get3A_17, %get3A_18] : memref<80x256xf32, #tpu.memory_space<vmem>>, vector<80x256xf32>
    %get3A_20 = arith.constant 0 : index
    %get3A_21 = arith.constant 0 : index
    %get3A_22 = vector.load %arg6[%get3A_20, %get3A_21] : memref<256x256xf32, #tpu.memory_space<vmem>>, vector<256x256xf32>
    %dot_general3A_23 = arith.constant dense<0.000000e+00> : vector<80x256xf32>
    %dot_general3A_24 = tpu.matmul %get3A_19, %get3A_22, %dot_general3A_23 {dimension_numbers = #tpu.dot_dimension_numbers<[1], [0], [0], [1], [0, 0, 1, 1], [], []>, transpose_lhs_hint = false} : vector<80x256xf32>, vector<256x256xf32>, vector<80x256xf32> -> vector<80x256xf32>
    %add3A = arith.addf %dot_general3A_16, %dot_general3A_24 : vector<80x256xf32>
    %get3A_25 = arith.constant 0 : index
    %get3A_26 = arith.constant 0 : index
    %get3A_27 = vector.load %arg7[%get3A_25, %get3A_26] : memref<1x256xf32, #tpu.memory_space<vmem>>, vector<1x256xf32>
    %add3A_28 = vector.broadcast %get3A_27 : vector<1x256xf32> to vector<80x256xf32>
    %add3A_29 = arith.addf %add3A, %add3A_28 : vector<80x256xf32>
    %max3A_30 = arith.constant 0.000000e+00 : f32
    %max3A_31 = vector.broadcast %max3A_30 : f32 to vector<80x256xf32>
    %max3A_32 = arith.maximumf %add3A_29, %max3A_31 : vector<80x256xf32>
    %swap3A = arith.constant 0 : index
    %swap3A_33 = arith.constant 0 : index
    %swap3A_34 = vector.load %arg8[%swap3A, %swap3A_33] : memref<80x256xf32, #tpu.memory_space<vmem>>, vector<80x256xf32>
    tpu.vector_store %arg8[%swap3A, %swap3A_33], %max3A_32 {strides = array<i32>} : memref<80x256xf32, #tpu.memory_space<vmem>>, vector<80x256xf32>,
    return
  }
  func.func @transform_0(%arg0: i32) -> (i32, i32) {
    %c0_i32 = arith.constant 0 : i32
    %c0_i32_0 = arith.constant 0 : i32
    return %arg0, %c0_i32 : i32, i32
  }
  func.func @transform_1(%arg0: i32) -> (i32, i32) {
    %add3A = arith.constant 128 : i32
    %add3A_0 = arith.addi %arg0, %add3A : i32
    %c0_i32 = arith.constant 0 : i32
    %c0_i32_1 = arith.constant 0 : i32
    return %add3A_0, %c0_i32 : i32, i32
  }
  func.func @transform_2(%arg0: i32) -> (i32, i32) {
    %c0_i32 = arith.constant 0 : i32
    %c0_i32_0 = arith.constant 0 : i32
    return %arg0, %c0_i32 : i32, i32
  }
  func.func @transform_3(%arg0: i32) -> (i32, i32) {
    %c0_i32 = arith.constant 0 : i32
    %c0_i32_0 = arith.constant 0 : i32
    return %arg0, %c0_i32 : i32, i32
  }
  func.func @transform_4(%arg0: i32) -> (i32, i32) {
    %c0_i32 = arith.constant 0 : i32
    %c0_i32_0 = arith.constant 0 : i32
    %c0_i32_1 = arith.constant 0 : i32
    return %c0_i32, %c0_i32_0 : i32, i32
  }
  func.func @transform_5(%arg0: i32) -> (i32, i32) {
    %c0_i32 = arith.constant 0 : i32
    %c0_i32_0 = arith.constant 0 : i32
    %c0_i32_1 = arith.constant 0 : i32
    return %c0_i32, %c0_i32_0 : i32, i32
  }
  func.func @transform_6(%arg0: i32) -> (i32, i32) {
    %c0_i32 = arith.constant 0 : i32
    %c0_i32_0 = arith.constant 0 : i32
    %c0_i32_1 = arith.constant 0 : i32
    return %c0_i32, %c0_i32_0 : i32, i32
  }
  func.func @transform_7(%arg0: i32) -> (i32, i32) {
    %c0_i32 = arith.constant 0 : i32
    %c0_i32_0 = arith.constant 0 : i32
    return %arg0, %c0_i32 : i32, i32
  }
}

</mosaic_0001>

<sc_bundles>
// kernel: kernel.4.cloned.1.call-start
scs
__scs_entry_jumppad:
0x0: {  	(pc) =	sbr.rel $0x88, $3  }
0x1: {  	(tag) =	ssettag $0x0;
	lr =	simm.s32 $0x1  }
0x2: {  	[smem:$0x3F9C] =	sst lr;
	_ =	strace $0xD0000000  }
0x3: {  	_ = 	snop  }
0x4: {  	_ = 	snop  }
0x5: {  	_ = 	snop  }
0x6: {  	_ = 	snop  }
0x7: {  	_ = 	snop  }
__scs_overlays_trampoline_lowered:
0x8: {  	[smem:$0x3FAB] =	sst s0  }
0x9: {  	[smem:$0x3FAC] =	sst s1  }
0xa: {  	[smem:$0x3FAD] =	sst s2  }
0xb: {  	[smem:$0x3FAE] =	sst s3  }
0xc: {  	[smem:$0x3FAF] =	sst s4  }
0xd: {  	[smem:$0x3FB0] =	sst s5  }
0xe: {  	[smem:$0x3FB1] =	sst s6  }
0xf: {  	[smem:$0x3FB2] =	sst s7  }
0x10: {  	[smem:$0x3FB3] =	sst s8  }
0x11: {  	[smem:$0x3FB4] =	sst s9;
	s0 =	simm.s32 @!p0 $0x0  }
0x12: {  	s1 =	sld [smem:$0x3F9A];
	s0 =	simm.s32 @p0 $0x1  }
0x13: {  	[smem:$0x3FB5] =	sst s0;
	s0 =	simm.s32 @!p1 $0x0  }
0x14: {  	s2 =	sld [smem:$0x3F99];
	s0 =	simm.s32 @p1 $0x1  }
0x15: {  	[smem:$0x3FB6] =	sst s0;
	s0 =	simm.s32 @!p2 $0x0  }
0x16: {  	s3 =	sld [smem:$0x3FDB];
	s0 =	simm.s32 @p2 $0x1  }
0x17: {  	s4 =	simm.s32 $0x1BF5;
	[smem:$0x3FB8] =	sst s0  }
0x18: {  	s0 =	sld [smem:$0x3F9B];
	_ =	swait.ge [sflag:s4], $0x0  }
0x19: {  	s7 =	sld [smem:$0x3F9C]  }
0x1a: {  	s8 =	sadd.s32 $0xFFFFE003, lr  }
0x1b: {  	s9 =	sadd.s32 $0xFFFFFEF7, lr;
	s5 =	simm.s32 $0xFFFFFFFF;
	p2 =	slt.u32 s8, $0xFFFFF086  }
0x1c: {  	p1 =	slt.u32 s9, $0xF7A;
	s5 =	simm.s32 @!p2 $0x0  }
0x1d: {  	s5 =	simm.s32 @p1 $0x1;
	p0 =	seq.s32 s7, s2  }
0x1e: {  	s7 =	smul.u32 @!p0 $0xF7A, s2;
	p2 =	seq.s32 @!p0 s5, $0x0  }
0x1f: {  	s9 =	smul.u32 $0xF7A, s1;
	s8 =	simm.s32 @!p0 $0x1BF5;
	p2 =	por !p2, p0  }
0x20: {  	[sflag:s8] =	ssyncset.s32 @!p0 $0xFFFFF086;
	s6 =	sadd.s32 @!p0 s3, s7;
	s7 =	simm.s32 @!p0 $0x108  }
0x21: {  	s3 =	sadd.s32 s3, s9;
	s6 =	sadd.s32 @!p0 $0x88, s6;
	s7 =	simm.s32 @p2 $0x1082  }
0x22: {  	[simem:s7], [sflag:s8] =	dma.local @!p0 [hbm:s6], $0xF7A  }
0x23: {  	s9 =	sor.u32 $0xD0000000, s2;
	s6 =	simm.s32 $0x108;
	_ =	swait.ge @!p0 [sflag:s8], $0x0  }
0x24: {  	s3 =	sadd.s32 $0x88, s3;
	s6 =	simm.s32 @!p1 $0x1082;
	[sflag:s4] =	ssyncset.s32 $0xFFFFF086  }
0x25: {  	[simem:s6], [sflag:s4] =	dma.local [hbm:s3], $0xF7A  }
0x26: {  	[smem:$0x3F9C] =	sst s1;
	(tag) =	ssettag s2;
	_ =	strace s9  }
0x27: {  	s1 =	sld [smem:$0x3FAC]  }
0x28: {  	s2 =	sld [smem:$0x3FAD]  }
0x29: {  	s4 =	sld [smem:$0x3FAF]  }
0x2a: {  	p0 =	seq.s32 s5, $0x0;
	s5 =	sld [smem:$0x3FB0]  }
0x2b: {  	s6 =	sld [smem:$0x3FB1]  }
0x2c: {  	s7 =	sld [smem:$0x3FB2]  }
0x2d: {  	s3 =	simm.s32 $0x108;
	s8 =	sld [smem:$0x3FB3]  }
0x2e: {  	s3 =	simm.s32 @!p0 $0x1082;
	s9 =	sld [smem:$0x3FB4]  }
0x2f: {  	lr =	sadd.s32 s0, s3;
	s0 =	sld [smem:$0x3FAB]  }
0x30: {  	s3 =	sld [smem:$0x3FAE]  }
0x31: {  	[smem:$0x3FB7] =	sst s10  }
0x32: {  	s10 =	sld [smem:$0x3FB5];
	_ =	sdelay $0x3  }
0x33: {  	p0 =	seq.s32 s10, $0x1;
	s10 =	sld [smem:$0x3FB7];
	_ =	sdelay $0x3  }
0x34: {  	[smem:$0x3FB7] =	sst s10  }
0x35: {  	s10 =	sld [smem:$0x3FB6];
	_ =	sdelay $0x3  }
0x36: {  	p1 =	seq.s32 s10, $0x1;
	s10 =	sld [smem:$0x3FB7];
	_ =	sdelay $0x3  }
0x37: {  	[smem:$0x3FB7] =	sst s10  }
0x38: {  	s10 =	sld [smem:$0x3FB8]  }
0x39: {  	_ = 	snop;
	(pc) =	sbr.ind lr, $3  }
0x3a: {  	_ = 	snop  }
0x3b: {  	_ = 	snop  }
0x3c: {  	p2 =	seq.s32 s10, $0x1;
	s10 =	sld [smem:$0x3FB7]  }
0x3d: {  	_ =	shalt  }
0x3e: {  	_ =	shalt  }
0x3f: {  	_ =	shalt  }
0x40: {  	_ =	shalt  }
0x41: {  	_ =	shalt  }
0x42: {  	_ =	shalt  }
0x43: {  	_ =	shalt  }
0x44: {  	_ =	shalt  }
0x45: {  	_ =	shalt  }
0x46: {  	_ =	shalt  }
0x47: {  	_ =	shalt  }
0x48: {  	_ =	shalt  }
0x49: {  	_ =	shalt  }
0x4a: {  	_ =	shalt  }
0x4b: {  	_ =	shalt  }
0x4c: {  	_ =	shalt  }
0x4d: {  	_ =	shalt  }
0x4e: {  	_ =	shalt  }
0x4f: {  	_ =	shalt  }
0x50: {  	_ =	shalt  }
0x51: {  	_ =	shalt  }
0x52: {  	_ =	shalt  }
0x53: {  	_ =	shalt  }
0x54: {  	_ =	shalt  }
0x55: {  	_ =	shalt  }
0x56: {  	_ =	shalt  }
0x57: {  	_ =	shalt  }
0x58: {  	_ =	shalt  }
0x59: {  	_ =	shalt  }
0x5a: {  	_ =	shalt  }
0x5b: {  	_ =	shalt  }
0x5c: {  	_ =	shalt  }
0x5d: {  	_ =	shalt  }
0x5e: {  	_ =	shalt  }
0x5f: {  	_ =	shalt  }
0x60: {  	_ =	shalt  }
0x61: {  	_ =	shalt  }
0x62: {  	_ =	shalt  }
0x63: {  	_ =	shalt  }
0x64: {  	_ =	shalt  }
0x65: {  	_ =	shalt  }
0x66: {  	_ =	shalt  }
0x67: {  	_ =	shalt  }
0x68: {  	_ =	shalt  }
0x69: {  	_ =	shalt  }
0x6a: {  	_ =	shalt  }
0x6b: {  	_ =	shalt  }
0x6c: {  	_ =	shalt  }
0x6d: {  	_ =	shalt  }
0x6e: {  	_ =	shalt  }
0x6f: {  	_ =	shalt  }
0x70: {  	_ =	shalt  }
0x71: {  	_ =	shalt  }
0x72: {  	_ =	shalt  }
0x73: {  	_ =	shalt  }
0x74: {  	_ =	shalt  }
0x75: {  	_ =	shalt  }
0x76: {  	_ =	shalt  }
0x77: {  	_ =	shalt  }
0x78: {  	_ =	shalt  }
0x79: {  	_ =	shalt  }
0x7a: {  	_ =	shalt  }
0x7b: {  	_ =	shalt  }
0x7c: {  	_ =	shalt  }
0x7d: {  	_ =	shalt  }
0x7e: {  	_ =	shalt  }
0x7f: {  	_ =	shalt  }
0x80: {  	_ =	shalt  }
0x81: {  	_ =	shalt  }
0x82: {  	_ =	shalt  }
0x83: {  	_ =	shalt  }
0x84: {  	_ =	shalt  }
0x85: {  	_ =	shalt  }
0x86: {  	_ =	shalt  }
0x87: {  	_ =	shalt  }
.Lfunc_end0:
.L_simem_size_0:
called_computation_lowered:
.L_overlay_start_0:
0x88: {  	s2 =	sld [smem:$0x3FD9]  }
0x89: {  	s3 =	sld [smem:$0x3FFE];
	_ =	sdelay $0x1  }
0x8a: {  	s1 =	srdreg.scid  }
0x8b: {  	s0 =	sand.u32 $0x1, s1  }
0x8c: {  	s17 =	sshll.u32 s0, $0xA;
	s2 =	sadd.s32 s3, s2  }
0x8d: {  	s2 =	sadd.s32 s2, s17  }
0x8e: {  	[smem:$0x3FC3] =	sst s2  }
0x8f: {  	_ = 	snop  }
0x90: {  	s2 =	sld [smem:$0x3FD0];
	(tm) =	ssettm $0x1  }
0x91: {  	s18 =	sld [smem:$0x3FFB];
	_ =	sdelay $0x3  }
0x92: {  	_ =	strace s18  }
0x93: {  	s3 =	sld [smem:$0x3FFC];
	_ =	sdelay $0x3  }
0x94: {  	_ =	strace s3  }
0x95: {  	s3 =	sld [smem:$0x3FFD];
	_ =	sdelay $0x3  }
0x96: {  	_ =	strace s3  }
0x97: {  	_ =	strace $0x8FFFFFFF  }
0x98: {  	s19 =	sld [smem:$0x3FDB];
	_ =	sdelay $0x1  }
0x99: {  	s4 =	simm.s32 $_scs_section_size  }
0x9a: {  	s5 =	simm.s32 $_size__tile_overlayer_lowered;
	s6 =	simm.s32 $_tile_overlayer_lowered  }
0x9b: {  	s22 =	simm.s32 $0x1BFF;
	s21 =	sshll.u32 s6, $0x1;
	s3 =	sadd.s32 s4, s19  }
0x9c: {  	s7 =	simm.s32 $0x0;
	s20 =	sshll.u32 s5, $0x1;
	s5 =	sadd.s32 s21, s3  }
0x9d: {  	[timem:s7], [sflag:s22] =	dma.local [hbm:s5], s20  }
0x9e: {  	_ =	swait.ge [sflag:s22], s20  }
0x9f: {  	s4 =	ssub.s32 $0x0, s20;
	[sflag:s22] =	ssyncset.done $0x0  }
0xa0: {  	[sflag:s22] =	ssyncadd.s32 s4;
	_ =	sdelay $0x1  }
0xa1: {  	s23 =	simm.s32 $0x1B8B  }
0xa2: {  	_ =	swait.ge [sflag:s23], $0x1  }
0xa3: {  	[sflag:s23] =	ssyncset.done $0x0  }
0xa4: {  	s25 =	simm.s32 $0x1B8E;
	s24 =	sld [smem:$0x3FFE];
	[sflag:s23] =	ssyncadd.s32 $0xFFFFFFFF  }
0xa5: {  	s26 =	simm.s32 $execute0_lowered;
	[smem:$0x3FD2] =	sst s25  }
0xa6: {  	s5 =	sshll.u32 s26, $0x1;
	_ =	strace $0x80000046;
	[dreg:$0x1] =	wrdreg $0xFFFFFFFF  }
0xa7: {  	s28 =	simm.s32 $_size_execute0_lowered;
	s3 =	sadd.s32 s3, s5;
	[dreg:$0x0] =	wrdreg $0x0  }
0xa8: {  	s5 =	sshll.u32 s28, $0x1;
	[dreg:$0x2] =	wrdreg s3  }
0xa9: {  	[dreg:$0x3] =	wrdreg s5  }
0xaa: {  	[dreg:$0x4] =	wrdreg $0xC0  }
0xab: {  	_ =	task [dreg:s7], $0x5FFFF  }
0xac: {  	[dreg:$0x1] =	wrdreg $0xFFFFFFFF  }
0xad: {  	[dreg:$0x0] =	wrdreg $0x60  }
0xae: {  	[dreg:$0x2] =	wrdreg s2  }
0xaf: {  	[dreg:$0x3] =	wrdreg s24  }
0xb0: {  	[dreg:$0x4] =	wrdreg $0x90000  }
0xb1: {  	[dreg:$0x5] =	wrdreg $0x1D0000  }
0xb2: {  	[dreg:$0x6] =	wrdreg $0x9  }
0xb3: {  	_ =	task.clear_ibuf [dreg:s7], $0x7FFFF;
	_ =	strace $0x90000046  }
0xb4: {  	s29 =	simm.s32 $0x9;
	_ =	strace $0x80000048  }
0xb5: {  	_ =	swait.ge [sflag:s29], $0x1  }
0xb6: {  	[sflag:s29] =	ssyncadd.s32 $0xFFFFFFFF  }
0xb7: {  	_ =	strace $0x90000048  }
0xb8: {  	_ =	sfence  }
0xb9: {  	s30 =	sld [smem:$0x0];
	_ =	sdelay $0x2  }
0xba: {  	s31 =	sshll.u32 s1, $0xD;
	s1 =	sshrl.u32 s1, $0x2  }
0xbb: {  	s3 =	sand.u32 $0x4000, s31;
	s1 =	sadd.s32 s1, s30  }
0xbc: {  	s0 =	sor.u32 s3, s0;
	s1 =	sshll.u32 s1, $0x11  }
0xbd: {  	s0 =	sor.u32 s1, s0  }
0xbe: {  	s0 =	sadd.s32 $0x8F2B, s0  }
0xbf: {  	[sflag:s0] =	ssyncadd.remote.s32 $0x1  }
0xc0: {  	_ =	sfence.sel $0xFFFF  }
0xc1: {  	[dreg:$0x0] =	wrdreg $0xFFFFFFFF;
	(pc) =	sbr.abs _section_cstart, $3  }
0xc2: {  	[dreg:$0x1] =	wrdreg $0xFFFFFFFF  }
0xc3: {  	_ =	task.clear_ibuf [dreg:s7], $0x2FFFF;
	_ =	strace $0x9FFFFFFF  }
0xc4: {  	(tm) =	ssettm $0x7FFFFFFF  }
0xc5: {  	_ =	shalt  }
tec
execute0_lowered:
.L_overlay_start_1:
0x0: {  	(tag) =	ssettag $0x1  }
0x1: {  	s1 =	rddreg [dreg:$0x0]  }
0x2: {  	s0 =	rddreg [dreg:$0x1]  }
0x3: {  	s3 =	rddreg [dreg:$0x2];
	s2 =	srdreg.scid  }
0x4: {  	s14 =	stileid.u32;
	s4 =	rddreg [dreg:$0x3];
	s5 =	simm.s32 $0x0  }
0x5: {  	s28 =	simm.s32 $0x500;
	s29 =	simm.s32 $0x200;
	s30 =	simm.s32 $0x580  }
0x6: {  	s31 =	simm.s32 $0x280;
	s2 =	sand.u32 $0x1, s2;
	s6 =	smul.u32 $0x2800, s14  }
0x7: {  	[smem:$0x7FF] =	sst s5;
	s8 =	smul.u32 $0x280, s14;
	s10 =	sadd.s32 $0x10E00, s0  }
0x8: {  	s18 =	sadd.s32 $0x10800, s0;
	s19 =	sadd.s32 $0x10600, s0;
	s20 =	smul.u32 $0x50000, s14  }
0x9: {  	s12 =	smul.u32 $0xA000, s14;
	_ =	strace $0x80000047;
	[dreg:$0x6] =	wrdreg s10  }
0xa: {  	s26 =	sshll.u32 s14, $0x6;
	s7 =	smul.u32 $0x28000, s2;
	[dreg:$0x7] =	wrdreg s18  }
0xb: {  	s14 =	simm.s32 $0x3;
	s9 =	smul.u32 $0x2800, s2;
	[dreg:$0x8] =	wrdreg s19  }
0xc: {  	s2 =	ssub.s32 $0x2, s2;
	s15 =	sor.u32 $0x1C03, s26;
	s18 =	simm.s32 $0x400  }
0xd: {  	s19 =	simm.s32 $0x80;
	s26 =	simm.s32 $0x180;
	s10 =	simm.s32 $0x780  }
0xe: {  	s11 =	sshrl.u32 s2, $0x1;
	s21 =	sshrl.u32 s20, $0x2;
	s22 =	sshrl.u32 s12, $0x2  }
0xf: {  	s20 =	simm.s32 $0x800;
	s7 =	sadd.s32 s6, s7;
	s6 =	sshrl.u32 s6, $0x3  }
0x10: {  	s8 =	sadd.s32 s8, s9;
	s2 =	ssub.s32 s2, s11;
	s23 =	sadd.s32 s22, s4  }
0x11: {  	s22 =	simm.s32 $0x1;
	s11 =	simm.s32 $0x0;
	s7 =	sshrl.u32 s7, $0x3  }
0x12: {  	s6 =	sadd.s32 s6, s0;
	s9 =	sshll.u32 s8, $0x4;
	s8 =	sshll.u32 s8, $0x1  }
0x13: {  	s25 =	smax.u32 s2, $0x1;
	s17 =	sshrl.u32 s23, $0x3;
	s23 =	simm.s32 $0x100  }
0x14: {  	s2 =	simm.s32 $0x600;
	s7 =	sadd.s32 s7, s0;
	s13 =	sadd.s32 s9, s0  }
0x15: {  	s0 =	sadd.s32 s8, s0;
	s8 =	sadd.s32 s21, s3;
	s9 =	sadd.s32 $0xB600, s6  }
0x16: {  	[dreg:$0xb] =	wrdreg s25;
	s21 =	simm.s32 $0x4800;
	s25 =	simm.s32 $0x480  }
0x17: {  	s6 =	simm.s32 $0x680;
	[dreg:$0xd] =	wrdreg s17;
	s7 =	sadd.s32 $0x1600, s7  }
0x18: {  	s24 =	sadd.s32 $0x1D600, s13;
	s0 =	sadd.s32 $0x13600, s0;
	[dreg:$0x5] =	wrdreg s7  }
0x19: {  	s13 =	simm.s32 $0x8800;
	s16 =	sshrl.u32 s8, $0x3;
	[dreg:$0x9] =	wrdreg s24  }
0x1a: {  	s8 =	simm.s32 $0x700;
	[dreg:$0xa] =	wrdreg s0;
	s24 =	simm.s32 $0x2  }
0x1b: {  	s0 =	simm.s32 $0x300;
	s7 =	simm.s32 $0x380;
	[dreg:$0xc] =	wrdreg s16  }
.LBB2_1:
0x1c: {  	s12 =	rddreg [dreg:$0x8]  }
0x1d: {  	[tilespmem:s13], [sflag:$0x3] =	stream.linear.gather [hbm4b:s12+s5], $0x800, $0x38;
	[tilespmem:$0x1F800] =	vst v63  }
0x1e: {  	_ =	swait.ge [sflag:s14], $0x800  }
0x1f: {  	[sflag:s14] =	ssyncset.done $0x0  }
0x20: {  	s12 =	rddreg [dreg:$0x6];
	[sflag:s14] =	ssyncadd.s32 $0xFFFFF800  }
0x21: {  	[spmem:s16], [sflag:s15] =	dma.local [hbm:s12], $0x2800  }
0x22: {  	_ =	swait.ge [sflag:s14], $0x2800  }
0x23: {  	[sflag:s14] =	ssyncset.done $0x0  }
0x24: {  	s16 =	rddreg [dreg:$0x7];
	[sflag:s14] =	ssyncadd.s32 $0xFFFFD800  }
0x25: {  	[spmem:s17], [sflag:s15] =	dma.local [hbm:s16], $0x500  }
0x26: {  	_ =	swait.ge [sflag:s14], $0x500  }
0x27: {  	[sflag:s14] =	ssyncset.done $0x0  }
0x28: {  	[sflag:s14] =	ssyncadd.s32 $0xFFFFFB00  }
0x29: {  	[bflag:$0x0] =	sbarrier.arrive $0xFFFF  }
0x2a: {  	s16 =	rddreg [dreg:$0x5]  }
0x2b: {  	s12 =	sadd.s32 $0x0, s16  }
0x2c: {  	[tilespmem:s5], [sflag:$0x3] =	stream.linear.gather [hbm4b:s12+s5], $0x400, $0x38;
	[tilespmem:$0x1F800] =	vst v63  }
0x2d: {  	_ =	swait.ge [sflag:s14], $0x400  }
0x2e: {  	[sflag:s14] =	ssyncset.done $0x0  }
0x2f: {  	s17 =	sadd.s32 $0x0, s9;
	[sflag:s14] =	ssyncadd.s32 $0xFFFFFC00  }
0x30: {  	[tilespmem:s18], [sflag:$0x3] =	stream.linear.gather [hbm4b:s17+s5], $0x400, $0x38;
	[tilespmem:$0x1F800] =	vst v63  }
0x31: {  	_ =	swait.ge [sflag:s14], $0x400  }
0x32: {  	[sflag:s14] =	ssyncset.done $0x0  }
0x33: {  	[sflag:s14] =	ssyncadd.s32 $0xFFFFFC00  }
0x34: {  	[tilespmem:s20], [sflag:$0x1] =	stream.indirect.gather [hbm4b:s1+s19], $0x80, s5, s19, $0xb8;
	[tilespmem:$0x1F800] =	vst v63  }
0x35: {  	_ = 	snop  }
0x36: {  	[tilespmem:s21], [sflag:$0x2] =	stream.indirect.gather [hbm4b:s1+s19], $0x80, s19, s19, $0xb8;
	[tilespmem:$0x1F800] =	vst v63  }
0x37: {  	_ =	swait.ge [sflag:s22], $0x4000  }
0x38: {  	[sflag:s22] =	ssyncset.done $0x0  }
0x39: {  	[sflag:s22] =	ssyncadd.s32 $0xFFFFC000  }
0x3a: {  	[spmem:s3] =	stream.indirect.scatter.add.f32 [tilespmem:s20], [sflag:$0x3], $0x80, s18, s19, $0xb8;
	[tilespmem:$0x1F800] =	vst v63  }
0x3b: {  	_ =	swait.ge [sflag:s14], $0x4000  }
0x3c: {  	[sflag:s14] =	ssyncset.done $0x0  }
0x3d: {  	[sflag:s14] =	ssyncadd.s32 $0xFFFFC000  }
0x3e: {  	[spmem:s4] =	stream.indirect.scatter.add.f32 [tilespmem:s13], [sflag:$0x3], $0x10, s18, s19, $0xb8;
	[tilespmem:$0x1F800] =	vst v63  }
0x3f: {  	_ =	swait.ge [sflag:s14], $0x800  }
0x40: {  	[sflag:s14] =	ssyncset.done $0x0  }
0x41: {  	[sflag:s14] =	ssyncadd.s32 $0xFFFFF800  }
0x42: {  	[tilespmem:s20], [sflag:$0x1] =	stream.indirect.gather [hbm4b:s1+s19], $0x80, s23, s19, $0xb8;
	[tilespmem:$0x1F800] =	vst v63  }
0x43: {  	_ =	swait.ge [sflag:s24], $0x4000  }
0x44: {  	[sflag:s24] =	ssyncset.done $0x0  }
0x45: {  	[sflag:s24] =	ssyncadd.s32 $0xFFFFC000  }
0x46: {  	[spmem:s3] =	stream.indirect.scatter.add.f32 [tilespmem:s21], [sflag:$0x3], $0x80, s25, s19, $0xb8;
	[tilespmem:$0x1F800] =	vst v63  }
0x47: {  	_ =	swait.ge [sflag:s14], $0x4000  }
0x48: {  	[sflag:s14] =	ssyncset.done $0x0  }
0x49: {  	[sflag:s14] =	ssyncadd.s32 $0xFFFFC000  }
0x4a: {  	[spmem:s4] =	stream.indirect.scatter.add.f32 [tilespmem:s13], [sflag:$0x3], $0x10, s25, s19, $0xb8;
	[tilespmem:$0x1F800] =	vst v63  }
0x4b: {  	_ =	swait.ge [sflag:s14], $0x800  }
0x4c: {  	[sflag:s14] =	ssyncset.done $0x0  }
0x4d: {  	[sflag:s14] =	ssyncadd.s32 $0xFFFFF800  }
0x4e: {  	[tilespmem:s21], [sflag:$0x2] =	stream.indirect.gather [hbm4b:s1+s19], $0x80, s26, s19, $0xb8;
	[tilespmem:$0x1F800] =	vst v63  }
0x4f: {  	_ =	swait.ge [sflag:s22], $0x4000  }
0x50: {  	[sflag:s22] =	ssyncset.done $0x0  }
0x51: {  	[sflag:s22] =	ssyncadd.s32 $0xFFFFC000  }
0x52: {  	[spmem:s3] =	stream.indirect.scatter.add.f32 [tilespmem:s20], [sflag:$0x3], $0x80, s28, s19, $0xb8;
	[tilespmem:$0x1F800] =	vst v63  }
0x53: {  	_ =	swait.ge [sflag:s14], $0x4000  }
0x54: {  	[sflag:s14] =	ssyncset.done $0x0  }
0x55: {  	[sflag:s14] =	ssyncadd.s32 $0xFFFFC000  }
0x56: {  	[spmem:s4] =	stream.indirect.scatter.add.f32 [tilespmem:s13], [sflag:$0x3], $0x10, s28, s19, $0xb8;
	[tilespmem:$0x1F800] =	vst v63  }
0x57: {  	_ =	swait.ge [sflag:s14], $0x800  }
0x58: {  	[sflag:s14] =	ssyncset.done $0x0  }
0x59: {  	[sflag:s14] =	ssyncadd.s32 $0xFFFFF800  }
0x5a: {  	[tilespmem:s20], [sflag:$0x1] =	stream.indirect.gather [hbm4b:s1+s19], $0x80, s29, s19, $0xb8;
	[tilespmem:$0x1F800] =	vst v63  }
0x5b: {  	_ =	swait.ge [sflag:s24], $0x4000  }
0x5c: {  	[sflag:s24] =	ssyncset.done $0x0  }
0x5d: {  	[sflag:s24] =	ssyncadd.s32 $0xFFFFC000  }
0x5e: {  	[spmem:s3] =	stream.indirect.scatter.add.f32 [tilespmem:s21], [sflag:$0x3], $0x80, s30, s19, $0xb8;
	[tilespmem:$0x1F800] =	vst v63  }
0x5f: {  	_ =	swait.ge [sflag:s14], $0x4000  }
0x60: {  	[sflag:s14] =	ssyncset.done $0x0  }
0x61: {  	[sflag:s14] =	ssyncadd.s32 $0xFFFFC000  }
0x62: {  	[spmem:s4] =	stream.indirect.scatter.add.f32 [tilespmem:s13], [sflag:$0x3], $0x10, s30, s19, $0xb8;
	[tilespmem:$0x1F800] =	vst v63  }
0x63: {  	_ =	swait.ge [sflag:s14], $0x800  }
0x64: {  	[sflag:s14] =	ssyncset.done $0x0  }
0x65: {  	[sflag:s14] =	ssyncadd.s32 $0xFFFFF800  }
0x66: {  	[tilespmem:s21], [sflag:$0x2] =	stream.indirect.gather [hbm4b:s1+s19], $0x80, s31, s19, $0xb8;
	[tilespmem:$0x1F800] =	vst v63  }
0x67: {  	_ =	swait.ge [sflag:s22], $0x4000  }
0x68: {  	[sflag:s22] =	ssyncset.done $0x0  }
0x69: {  	[sflag:s22] =	ssyncadd.s32 $0xFFFFC000  }
0x6a: {  	[spmem:s3] =	stream.indirect.scatter.add.f32 [tilespmem:s20], [sflag:$0x3], $0x80, s2, s19, $0xb8;
	[tilespmem:$0x1F800] =	vst v63  }
0x6b: {  	_ =	swait.ge [sflag:s14], $0x4000  }
0x6c: {  	[sflag:s14] =	ssyncset.done $0x0  }
0x6d: {  	[sflag:s14] =	ssyncadd.s32 $0xFFFFC000  }
0x6e: {  	[spmem:s4] =	stream.indirect.scatter.add.f32 [tilespmem:s13], [sflag:$0x3], $0x10, s2, s19, $0xb8;
	[tilespmem:$0x1F800] =	vst v63  }
0x6f: {  	_ =	swait.ge [sflag:s14], $0x800  }
0x70: {  	[sflag:s14] =	ssyncset.done $0x0  }
0x71: {  	[sflag:s14] =	ssyncadd.s32 $0xFFFFF800  }
0x72: {  	[tilespmem:s20], [sflag:$0x1] =	stream.indirect.gather [hbm4b:s1+s19], $0x80, s0, s19, $0xb8;
	[tilespmem:$0x1F800] =	vst v63  }
0x73: {  	_ =	swait.ge [sflag:s24], $0x4000  }
0x74: {  	[sflag:s24] =	ssyncset.done $0x0  }
0x75: {  	[sflag:s24] =	ssyncadd.s32 $0xFFFFC000  }
0x76: {  	[spmem:s3] =	stream.indirect.scatter.add.f32 [tilespmem:s21], [sflag:$0x3], $0x80, s6, s19, $0xb8;
	[tilespmem:$0x1F800] =	vst v63  }
0x77: {  	_ =	swait.ge [sflag:s14], $0x4000  }
0x78: {  	[sflag:s14] =	ssyncset.done $0x0  }
0x79: {  	[sflag:s14] =	ssyncadd.s32 $0xFFFFC000  }
0x7a: {  	[spmem:s4] =	stream.indirect.scatter.add.f32 [tilespmem:s13], [sflag:$0x3], $0x10, s6, s19, $0xb8;
	[tilespmem:$0x1F800] =	vst v63  }
0x7b: {  	_ =	swait.ge [sflag:s14], $0x800  }
0x7c: {  	[sflag:s14] =	ssyncset.done $0x0  }
0x7d: {  	[sflag:s14] =	ssyncadd.s32 $0xFFFFF800  }
0x7e: {  	[tilespmem:s21], [sflag:$0x2] =	stream.indirect.gather [hbm4b:s1+s19], $0x80, s7, s19, $0xb8;
	[tilespmem:$0x1F800] =	vst v63  }
0x7f: {  	_ =	swait.ge [sflag:s22], $0x4000  }
0x80: {  	[sflag:s22] =	ssyncset.done $0x0  }
0x81: {  	[sflag:s22] =	ssyncadd.s32 $0xFFFFC000  }
0x82: {  	[spmem:s3] =	stream.indirect.scatter.add.f32 [tilespmem:s20], [sflag:$0x3], $0x80, s8, s19, $0xb8;
	[tilespmem:$0x1F800] =	vst v63  }
0x83: {  	_ =	swait.ge [sflag:s14], $0x4000  }
0x84: {  	[sflag:s14] =	ssyncset.done $0x0  }
0x85: {  	[sflag:s14] =	ssyncadd.s32 $0xFFFFC000  }
0x86: {  	[spmem:s4] =	stream.indirect.scatter.add.f32 [tilespmem:s13], [sflag:$0x3], $0x10, s8, s19, $0xb8;
	[tilespmem:$0x1F800] =	vst v63  }
0x87: {  	_ =	swait.ge [sflag:s14], $0x800  }
0x88: {  	[sflag:s14] =	ssyncset.done $0x0  }
0x89: {  	[sflag:s14] =	ssyncadd.s32 $0xFFFFF800  }
0x8a: {  	_ =	swait.ge [sflag:s24], $0x4000  }
0x8b: {  	[sflag:s24] =	ssyncset.done $0x0  }
0x8c: {  	[sflag:s24] =	ssyncadd.s32 $0xFFFFC000  }
0x8d: {  	[spmem:s3] =	stream.indirect.scatter.add.f32 [tilespmem:s21], [sflag:$0x3], $0x80, s10, s19, $0xb8;
	[tilespmem:$0x1F800] =	vst v63  }
0x8e: {  	_ =	swait.ge [sflag:s14], $0x4000  }
0x8f: {  	[sflag:s14] =	ssyncset.done $0x0  }
0x90: {  	[sflag:s14] =	ssyncadd.s32 $0xFFFFC000  }
0x91: {  	[spmem:s4] =	stream.indirect.scatter.add.f32 [tilespmem:s13], [sflag:$0x3], $0x10, s10, s19, $0xb8;
	[tilespmem:$0x1F800] =	vst v63  }
0x92: {  	s12 =	simm.s32 $0x80;
	_ =	swait.ge [sflag:s14], $0x800  }
.LBB2_2:
0x93: {  	s16 =	rddreg [dreg:$0x5];
	s17 =	smov.u32 s12;
	[sflag:s14] =	ssyncset.done $0x0  }
0x94: {  	s16 =	sadd.s32 s17, s16;
	[sflag:s14] =	ssyncadd.s32 $0xFFFFF800  }
0x95: {  	[tilespmem:s5], [sflag:$0x3] =	stream.linear.gather [hbm4b:s16+s5], $0x400, $0x38;
	[tilespmem:$0x1F800] =	vst v63  }
0x96: {  	_ =	swait.ge [sflag:s14], $0x400  }
0x97: {  	[sflag:s14] =	ssyncset.done $0x0  }
0x98: {  	s17 =	sadd.s32 s17, s9;
	[sflag:s14] =	ssyncadd.s32 $0xFFFFFC00  }
0x99: {  	[tilespmem:s18], [sflag:$0x3] =	stream.linear.gather [hbm4b:s17+s5], $0x400, $0x38;
	[tilespmem:$0x1F800] =	vst v63  }
0x9a: {  	_ =	swait.ge [sflag:s14], $0x400  }
0x9b: {  	[sflag:s14] =	ssyncset.done $0x0  }
0x9c: {  	[sflag:s14] =	ssyncadd.s32 $0xFFFFFC00  }
0x9d: {  	[tilespmem:s20], [sflag:$0x1] =	stream.indirect.gather [hbm4b:s1+s19], $0x80, s5, s19, $0xb8;
	[tilespmem:$0x1F800] =	vst v63  }
0x9e: {  	_ = 	snop  }
0x9f: {  	[tilespmem:s21], [sflag:$0x2] =	stream.indirect.gather [hbm4b:s1+s19], $0x80, s19, s19, $0xb8;
	[tilespmem:$0x1F800] =	vst v63  }
0xa0: {  	_ =	swait.ge [sflag:s22], $0x4000  }
0xa1: {  	[sflag:s22] =	ssyncset.done $0x0  }
0xa2: {  	[sflag:s22] =	ssyncadd.s32 $0xFFFFC000  }
0xa3: {  	[spmem:s3] =	stream.indirect.scatter.add.f32 [tilespmem:s20], [sflag:$0x3], $0x80, s18, s19, $0xb8;
	[tilespmem:$0x1F800] =	vst v63  }
0xa4: {  	_ =	swait.ge [sflag:s14], $0x4000  }
0xa5: {  	[sflag:s14] =	ssyncset.done $0x0  }
0xa6: {  	[sflag:s14] =	ssyncadd.s32 $0xFFFFC000  }
0xa7: {  	[spmem:s4] =	stream.indirect.scatter.add.f32 [tilespmem:s13], [sflag:$0x3], $0x10, s18, s19, $0xb8;
	[tilespmem:$0x1F800] =	vst v63  }
0xa8: {  	_ =	swait.ge [sflag:s14], $0x800  }
0xa9: {  	[sflag:s14] =	ssyncset.done $0x0  }
0xaa: {  	[sflag:s14] =	ssyncadd.s32 $0xFFFFF800  }
0xab: {  	[tilespmem:s20], [sflag:$0x1] =	stream.indirect.gather [hbm4b:s1+s19], $0x80, s23, s19, $0xb8;
	[tilespmem:$0x1F800] =	vst v63  }
0xac: {  	_ =	swait.ge [sflag:s24], $0x4000  }
0xad: {  	[sflag:s24] =	ssyncset.done $0x0  }
0xae: {  	[sflag:s24] =	ssyncadd.s32 $0xFFFFC000  }
0xaf: {  	[spmem:s3] =	stream.indirect.scatter.add.f32 [tilespmem:s21], [sflag:$0x3], $0x80, s25, s19, $0xb8;
	[tilespmem:$0x1F800] =	vst v63  }
0xb0: {  	_ =	swait.ge [sflag:s14], $0x4000  }
0xb1: {  	[sflag:s14] =	ssyncset.done $0x0  }
0xb2: {  	[sflag:s14] =	ssyncadd.s32 $0xFFFFC000  }
0xb3: {  	[spmem:s4] =	stream.indirect.scatter.add.f32 [tilespmem:s13], [sflag:$0x3], $0x10, s25, s19, $0xb8;
	[tilespmem:$0x1F800] =	vst v63  }
0xb4: {  	_ =	swait.ge [sflag:s14], $0x800  }
0xb5: {  	[sflag:s14] =	ssyncset.done $0x0  }
0xb6: {  	[sflag:s14] =	ssyncadd.s32 $0xFFFFF800  }
0xb7: {  	[tilespmem:s21], [sflag:$0x2] =	stream.indirect.gather [hbm4b:s1+s19], $0x80, s26, s19, $0xb8;
	[tilespmem:$0x1F800] =	vst v63  }
0xb8: {  	_ =	swait.ge [sflag:s22], $0x4000  }
0xb9: {  	[sflag:s22] =	ssyncset.done $0x0  }
0xba: {  	[sflag:s22] =	ssyncadd.s32 $0xFFFFC000  }
0xbb: {  	[spmem:s3] =	stream.indirect.scatter.add.f32 [tilespmem:s20], [sflag:$0x3], $0x80, s28, s19, $0xb8;
	[tilespmem:$0x1F800] =	vst v63  }
0xbc: {  	_ =	swait.ge [sflag:s14], $0x4000  }
0xbd: {  	[sflag:s14] =	ssyncset.done $0x0  }
0xbe: {  	[sflag:s14] =	ssyncadd.s32 $0xFFFFC000  }
0xbf: {  	[spmem:s4] =	stream.indirect.scatter.add.f32 [tilespmem:s13], [sflag:$0x3], $0x10, s28, s19, $0xb8;
	[tilespmem:$0x1F800] =	vst v63  }
0xc0: {  	_ =	swait.ge [sflag:s14], $0x800  }
0xc1: {  	[sflag:s14] =	ssyncset.done $0x0  }
0xc2: {  	[sflag:s14] =	ssyncadd.s32 $0xFFFFF800  }
0xc3: {  	[tilespmem:s20], [sflag:$0x1] =	stream.indirect.gather [hbm4b:s1+s19], $0x80, s29, s19, $0xb8;
	[tilespmem:$0x1F800] =	vst v63  }
0xc4: {  	_ =	swait.ge [sflag:s24], $0x4000  }
0xc5: {  	[sflag:s24] =	ssyncset.done $0x0  }
0xc6: {  	[sflag:s24] =	ssyncadd.s32 $0xFFFFC000  }
0xc7: {  	[spmem:s3] =	stream.indirect.scatter.add.f32 [tilespmem:s21], [sflag:$0x3], $0x80, s30, s19, $0xb8;
	[tilespmem:$0x1F800] =	vst v63  }
0xc8: {  	_ =	swait.ge [sflag:s14], $0x4000  }
0xc9: {  	[sflag:s14] =	ssyncset.done $0x0  }
0xca: {  	[sflag:s14] =	ssyncadd.s32 $0xFFFFC000  }
0xcb: {  	[spmem:s4] =	stream.indirect.scatter.add.f32 [tilespmem:s13], [sflag:$0x3], $0x10, s30, s19, $0xb8;
	[tilespmem:$0x1F800] =	vst v63  }
0xcc: {  	_ =	swait.ge [sflag:s14], $0x800  }
0xcd: {  	[sflag:s14] =	ssyncset.done $0x0  }
0xce: {  	[sflag:s14] =	ssyncadd.s32 $0xFFFFF800  }
0xcf: {  	[tilespmem:s21], [sflag:$0x2] =	stream.indirect.gather [hbm4b:s1+s19], $0x80, s31, s19, $0xb8;
	[tilespmem:$0x1F800] =	vst v63  }
0xd0: {  	_ =	swait.ge [sflag:s22], $0x4000  }
0xd1: {  	[sflag:s22] =	ssyncset.done $0x0  }
0xd2: {  	[sflag:s22] =	ssyncadd.s32 $0xFFFFC000  }
0xd3: {  	[spmem:s3] =	stream.indirect.scatter.add.f32 [tilespmem:s20], [sflag:$0x3], $0x80, s2, s19, $0xb8;
	[tilespmem:$0x1F800] =	vst v63  }
0xd4: {  	_ =	swait.ge [sflag:s14], $0x4000  }
0xd5: {  	[sflag:s14] =	ssyncset.done $0x0  }
0xd6: {  	[sflag:s14] =	ssyncadd.s32 $0xFFFFC000  }
0xd7: {  	[spmem:s4] =	stream.indirect.scatter.add.f32 [tilespmem:s13], [sflag:$0x3], $0x10, s2, s19, $0xb8;
	[tilespmem:$0x1F800] =	vst v63  }
0xd8: {  	_ =	swait.ge [sflag:s14], $0x800  }
0xd9: {  	[sflag:s14] =	ssyncset.done $0x0  }
0xda: {  	[sflag:s14] =	ssyncadd.s32 $0xFFFFF800  }
0xdb: {  	[tilespmem:s20], [sflag:$0x1] =	stream.indirect.gather [hbm4b:s1+s19], $0x80, s0, s19, $0xb8;
	[tilespmem:$0x1F800] =	vst v63  }
0xdc: {  	_ =	swait.ge [sflag:s24], $0x4000  }
0xdd: {  	[sflag:s24] =	ssyncset.done $0x0  }
0xde: {  	[sflag:s24] =	ssyncadd.s32 $0xFFFFC000  }
0xdf: {  	[spmem:s3] =	stream.indirect.scatter.add.f32 [tilespmem:s21], [sflag:$0x3], $0x80, s6, s19, $0xb8;
	[tilespmem:$0x1F800] =	vst v63  }
0xe0: {  	_ =	swait.ge [sflag:s14], $0x4000  }
0xe1: {  	[sflag:s14] =	ssyncset.done $0x0  }
0xe2: {  	[sflag:s14] =	ssyncadd.s32 $0xFFFFC000  }
0xe3: {  	[spmem:s4] =	stream.indirect.scatter.add.f32 [tilespmem:s13], [sflag:$0x3], $0x10, s6, s19, $0xb8;
	[tilespmem:$0x1F800] =	vst v63  }
0xe4: {  	_ =	swait.ge [sflag:s14], $0x800  }
0xe5: {  	[sflag:s14] =	ssyncset.done $0x0  }
0xe6: {  	[sflag:s14] =	ssyncadd.s32 $0xFFFFF800  }
0xe7: {  	[tilespmem:s21], [sflag:$0x2] =	stream.indirect.gather [hbm4b:s1+s19], $0x80, s7, s19, $0xb8;
	[tilespmem:$0x1F800] =	vst v63  }
0xe8: {  	_ =	swait.ge [sflag:s22], $0x4000  }
0xe9: {  	[sflag:s22] =	ssyncset.done $0x0  }
0xea: {  	[sflag:s22] =	ssyncadd.s32 $0xFFFFC000  }
0xeb: {  	[spmem:s3] =	stream.indirect.scatter.add.f32 [tilespmem:s20], [sflag:$0x3], $0x80, s8, s19, $0xb8;
	[tilespmem:$0x1F800] =	vst v63  }
0xec: {  	_ =	swait.ge [sflag:s14], $0x4000  }
0xed: {  	[sflag:s14] =	ssyncset.done $0x0  }
0xee: {  	[sflag:s14] =	ssyncadd.s32 $0xFFFFC000  }
0xef: {  	[spmem:s4] =	stream.indirect.scatter.add.f32 [tilespmem:s13], [sflag:$0x3], $0x10, s8, s19, $0xb8;
	[tilespmem:$0x1F800] =	vst v63  }
0xf0: {  	_ =	swait.ge [sflag:s14], $0x800  }
0xf1: {  	[sflag:s14] =	ssyncset.done $0x0  }
0xf2: {  	[sflag:s14] =	ssyncadd.s32 $0xFFFFF800  }
0xf3: {  	_ =	swait.ge [sflag:s24], $0x4000  }
0xf4: {  	[sflag:s24] =	ssyncset.done $0x0  }
0xf5: {  	p0 =	sne.s32 s12, $0x480;
	[sflag:s24] =	ssyncadd.s32 $0xFFFFC000  }
0xf6: {  	[spmem:s3] =	stream.indirect.scatter.add.f32 [tilespmem:s21], [sflag:$0x3], $0x80, s10, s19, $0xb8;
	[tilespmem:$0x1F800] =	vst v63  }
.Ltmp0:
0xf7: {  	_ =	swait.ge [sflag:s14], $0x4000;
	(pc) =	sbr.rel @p0 .LBB2_2-.Ltmp0, $4  }
0xf8: {  	[sflag:s14] =	ssyncset.done $0x0  }
0xf9: {  	[sflag:s14] =	ssyncadd.s32 $0xFFFFC000  }
0xfa: {  	[spmem:s4] =	stream.indirect.scatter.add.f32 [tilespmem:s13], [sflag:$0x3], $0x10, s10, s19, $0xb8;
	[tilespmem:$0x1F800] =	vst v63  }
0xfb: {  	s12 =	sadd.s32 $0x80, s12;
	_ =	swait.ge [sflag:s14], $0x800  }
0xfc: {  	[sflag:s14] =	ssyncset.done $0x0  }
0xfd: {  	[sflag:s14] =	ssyncadd.s32 $0xFFFFF800  }
0xfe: {  	[bflag:$0x0] =	sbarrier.arrive $0xFFFF  }
0xff: {  	s12 =	rddreg [dreg:$0x9]  }
0x100: {  	s16 =	rddreg [dreg:$0xc]  }
0x101: {  	[hbm:s12], [sflag:s15] =	dma.local [spmem:s16], $0x2800  }
0x102: {  	_ =	swait.ge [sflag:s14], $0x2800  }
0x103: {  	[sflag:s14] =	ssyncset.done $0x0;
	s12 =	rddreg [dreg:$0xa]  }
0x104: {  	s17 =	rddreg [dreg:$0xd];
	[sflag:s14] =	ssyncadd.s32 $0xFFFFD800  }
0x105: {  	[hbm:s12], [sflag:s15] =	dma.local [spmem:s17], $0x500  }
0x106: {  	_ =	swait.ge [sflag:s14], $0x500  }
0x107: {  	s11 =	sadd.s32 $0x1, s11;
	s12 =	rddreg [dreg:$0xb]  }
0x108: {  	p0 =	sne.s32 s11, s12  }
.Ltmp1:
0x109: {  	_ = 	snop;
	(pc) =	sbr.rel @p0 .LBB2_1-.Ltmp1, $3  }
0x10a: {  	_ =	sdelay $0x1  }
0x10b: {  	[sflag:s14] =	ssyncset.done $0x0  }
0x10c: {  	[sflag:s14] =	ssyncadd.s32 $0xFFFFFB00  }
0x10d: {  	_ =	sfence.sel $0x180000  }
0x10e: {  	[bflag:$0x0] =	sbarrier.arrive $0xFFFF  }
0x10f: {  	_ =	strace $0x90000047  }
0x110: {  	s0 =	stileid.u32;
	[bflag:$0x2] =	sbarrier.arrive $0xFFFF  }
0x111: {  	p0 =	sne.s32 s0, $0x0;
	s0 =	rddreg [dreg:$0x4]  }
0x112: {  	s0 =	sadd.s32 @!p0 $0x100000, s0  }
0x113: {  	[sflag:s0] =	ssyncadd.tile.s32 @!p0 $0x1;
	_ =	shalt  }
.Lfunc_end2:
_tile_overlayer_lowered:
.L_overlay_start_2:
0x114: {  	(tag) =	ssettag $0x2  }
0x115: {  	s0 =	rddreg [dreg:$0x0];
	s2 =	stileid.u32  }
0x116: {  	s1 =	rddreg [dreg:$0x1];
	p0 =	sne.s32 s2, $0x0  }
0x117: {  	s3 =	rddreg [dreg:$0x2];
	[bflag:$0x3] =	sbarrier.arrive $0xFFFF;
	s2 =	simm.s32 @!p0 $0x1C03  }
0x118: {  	[timem:s3], [sflag:s2] =	dma.local @!p0 [hbm:s0], s1  }
0x119: {  	s0 =	simm.s32 @!p0 $0x3  }
0x11a: {  	_ =	swait.ge @!p0 [sflag:s0], s1  }
0x11b: {  	s1 =	ssub.s32 @!p0 $0x0, s1;
	[sflag:s0] =	ssyncset.done @!p0 $0x0  }
0x11c: {  	[sflag:s0] =	ssyncadd.s32 @!p0 s1  }
0x11d: {  	[bflag:$0x3] =	sbarrier.arrive $0xFFFF  }
0x11e: {  	_ =	shalt  }

</sc_bundles>
